<compile_context>
chip_gen: v7x
topology: tpu7x:2x2x1
jax: 0.10.2.dev20260603
libtpu: 0.0.44.dev20260713+nightly
codegen_flags: <defaults>
</compile_context>

<pallas_src>
import functools

import jax
import jax.numpy as jnp
from jax import lax
from jax.experimental import pallas as pl
from jax.experimental.pallas import tpu as pltpu
from jax.experimental.pallas import tpu_sc as plsc

N_TOK = 8192
N_EMB = 8192
D = 256
BLK = 256
GRID = N_TOK // BLK

NC, NS = 2, 16
NW = NC * NS
BPW = N_TOK // NW
CH = 128
NCH = BPW // CH


def _vq_body(x_ref, se_ref, emb_ref,
             enc_ref, idx_ref, loss_ref, perp_ref,
             counts_ref, sse_ref):
    i = pl.program_id(0)
    xb = x_ref[...]
    emb = emb_ref[...]

    mm = jax.lax.dot_general(xb, emb, (((1,), (1,)), ((), ())),
                             preferred_element_type=jnp.float32)
    sxb = jnp.sum(xb * xb, axis=1, keepdims=True)

    CW = 128
    colf = jax.lax.broadcasted_iota(jnp.int32, (BLK, CW), 1).astype(jnp.float32)
    mv = mi = None
    for kk in range(N_EMB // CW):
        sl = slice(kk * CW, (kk + 1) * CW)
        d = (sxb + se_ref[:, sl]) - 2.0 * mm[:, sl]
        cf = colf + jnp.float32(kk * CW)
        if mv is None:
            mv, mi = d, cf
        else:
            lt = d < mv
            mv = jnp.minimum(mv, d)
            mi = jnp.where(lt, cf, mi)

    minval = jnp.min(mv, axis=1, keepdims=True)
    cand = jnp.where(mv == minval, mi, jnp.float32(3e38))
    idx = jnp.min(cand, axis=1, keepdims=True).astype(jnp.int32)
    idx_ref[...] = idx

    cols = jax.lax.broadcasted_iota(jnp.int32, (BLK, N_EMB), 1)
    enc = (cols == idx).astype(jnp.float32)
    enc_ref[...] = enc

    @pl.when(i == 0)
    def _init():
        counts_ref[...] = jnp.zeros_like(counts_ref)
        sse_ref[0, 0] = jnp.float32(0.0)

    counts_ref[...] += jnp.sum(enc, axis=0, keepdims=True)
    sse_ref[0, 0] += jnp.sum(minval)

    @pl.when(i == pl.num_programs(0) - 1)
    def _fin():
        m = sse_ref[0, 0] / jnp.float32(N_TOK * D)
        loss_ref[...] = jnp.full((1, 1), m + 0.25 * m, jnp.float32)
        p = counts_ref[...] * jnp.float32(1.0 / N_TOK)
        ent = -jnp.sum(p * jnp.log(p + 1e-10), axis=1, keepdims=True)
        perp_ref[...] = jnp.exp(ent)


def _vq_call(flat, se, embedding):
    return pl.pallas_call(
        _vq_body,
        grid=(GRID,),
        in_specs=[
            pl.BlockSpec((BLK, D), lambda i: (i, 0)),
            pl.BlockSpec((1, N_EMB), lambda i: (0, 0)),
            pl.BlockSpec((N_EMB, D), lambda i: (0, 0)),
        ],
        out_specs=[
            pl.BlockSpec((BLK, N_EMB), lambda i: (i, 0)),
            pl.BlockSpec((BLK, 1), lambda i: (i, 0)),
            pl.BlockSpec((1, 1), lambda i: (0, 0)),
            pl.BlockSpec((1, 1), lambda i: (0, 0)),
        ],
        out_shape=[
            jax.ShapeDtypeStruct((N_TOK, N_EMB), jnp.float32),
            jax.ShapeDtypeStruct((N_TOK, 1), jnp.int32),
            jax.ShapeDtypeStruct((1, 1), jnp.float32),
            jax.ShapeDtypeStruct((1, 1), jnp.float32),
        ],
        scratch_shapes=[
            pltpu.VMEM((1, N_EMB), jnp.float32),
            pltpu.SMEM((1, 1), jnp.float32),
        ],
        compiler_params=pltpu.CompilerParams(
            vmem_limit_bytes=128 * 1024 * 1024,
        ),
    )(flat, se, embedding)


def _make_gather():
    @functools.partial(
        pl.kernel,
        mesh=plsc.VectorSubcoreMesh(core_axis_name="c", subcore_axis_name="s"),
        out_type=jax.ShapeDtypeStruct((N_TOK, D), jnp.float32),
        scratch_types=[
            pltpu.VMEM((NCH, CH), jnp.int32),
            pltpu.VMEM((NCH, CH, D), jnp.float32),
            pltpu.SemaphoreType.DMA,
            pltpu.SemaphoreType.DMA,
        ],
    )
    def _gather_k(idx_hbm, table_hbm, out_hbm, idx_v, rows_v, gsem, wsem):
        wid = lax.axis_index("s") * NC + lax.axis_index("c")
        base = wid * BPW
        for j in range(NCH):
            pltpu.sync_copy(idx_hbm.at[pl.ds(base + j * CH, CH)], idx_v.at[j])
        gathers = [pltpu.async_copy(table_hbm.at[idx_v.at[j]], rows_v.at[j], gsem)
                   for j in range(NCH)]
        writes = []
        for j in range(NCH):
            gathers[j].wait()
            writes.append(pltpu.async_copy(
                rows_v.at[j], out_hbm.at[pl.ds(base + j * CH, CH)], wsem))
        for wcp in writes:
            wcp.wait()

    return _gather_k


def kernel(inputs, embedding):
    b, c, h, w = inputs.shape
    x = jnp.transpose(inputs, (0, 2, 3, 1))
    flat = x.reshape(-1, c)
    se = jnp.sum(embedding ** 2, axis=1)[None, :]
    enc, idx, loss, perp = _vq_call(flat, se, embedding)
    qst = _make_gather()(idx.reshape(-1), embedding)
    quantized_out = jnp.transpose(qst.reshape(b, h, w, c), (0, 3, 1, 2))
    return (loss[0, 0], quantized_out, perp[0, 0], enc)

# --- scband reference (transcript-rebuilt; emitter-appended) ---
"""Pipeline reference for scband-vector-quantizer-26293789786234 (READ-ONLY COPY).

The authoritative reference and input builder live on the scoring server;
editing this copy changes nothing except your own understanding.
"""

import jax, jax.numpy as jnp
import numpy as np

NUM_EMBEDDINGS = 8192
EMBEDDING_DIM = 256
COMMITMENT_COST = 0.25
B, C, H, W = 8, 256, 32, 32


def setup_inputs(seed: int = 0) -> dict:
    key = jax.random.key(seed)
    k1, k2 = jax.random.split(key)
    inputs = jax.random.normal(k1, (B, C, H, W), dtype=jnp.float32)
    embedding = jax.random.uniform(
        k2, (NUM_EMBEDDINGS, EMBEDDING_DIM), dtype=jnp.float32,
        minval=-1.0 / NUM_EMBEDDINGS, maxval=1.0 / NUM_EMBEDDINGS)
    return {"inputs": inputs, "embedding": embedding}


def reference(inputs, embedding):
    # b c h w -> b h w c
    x = jnp.transpose(inputs, (0, 2, 3, 1))
    b, h, w, c = x.shape
    # b h w c -> (b h w) c
    flat = x.reshape(-1, c)
    # squared L2 distances to every codebook entry
    distances = (jnp.sum(flat ** 2, axis=1, keepdims=True)
                 + jnp.sum(embedding ** 2, axis=1)
                 - 2.0 * jnp.matmul(flat, embedding.T))
    encoding_indices = jnp.argmin(distances, axis=1)
    # one-hot encodings, equivalent to scatter_(1, idx, 1)
    encodings = jax.nn.one_hot(encoding_indices, NUM_EMBEDDINGS, dtype=jnp.float32)
    quantized = jnp.matmul(encodings, embedding).reshape(b, h, w, c)
    e_latent_loss = jnp.mean((jax.lax.stop_gradient(quantized) - x) ** 2)
    q_latent_loss = jnp.mean((quantized - jax.lax.stop_gradient(x)) ** 2)
    loss = q_latent_loss + COMMITMENT_COST * e_latent_loss
    # straight-through estimator
    quantized_st = x + jax.lax.stop_gradient(quantized - x)
    avg_probs = jnp.mean(encodings, axis=0)
    perplexity = jnp.exp(-jnp.sum(avg_probs * jnp.log(avg_probs + 1e-10)))
    # b h w c -> b c h w
    quantized_out = jnp.transpose(quantized_st, (0, 3, 1, 2))
    return (loss, quantized_out, perplexity, encodings)

if __name__ == "__main__":
    import jax
    _d = setup_inputs()
    print(jax.jit(kernel)(*tuple(_d.values())))

</pallas_src>

<mosaic_0001>
#map = affine_map<(d0, d1) -> (0)>
#map1 = affine_map<(d0, d1) -> (0, 0)>
module attributes {stable_mosaic.version = 14 : i64} {
  func.func @_gather_k(%arg0: i32, %arg1: i32, %arg2: memref<8192xi32, #tpu.memory_space<hbm>>, %arg3: memref<8192x256xf32, #tpu.memory_space<hbm>>, %arg4: memref<8192x256xf32, #tpu.memory_space<hbm>>, %arg5: memref<2x128xi32, #tpu.memory_space<vmem>>, %arg6: memref<2x128x256xf32, #tpu.memory_space<vmem>>, %arg7: memref<!tpu.dma_semaphore, #tpu.memory_space<semaphore_mem>>, %arg8: memref<!tpu.dma_semaphore, #tpu.memory_space<semaphore_mem>>) attributes {dimension_semantics = [#tpu.dimension_semantics<core_parallel>, #tpu.dimension_semantics<subcore_parallel>], iteration_bounds = array<i64: 2, 16>, scalar_prefetch = 0 : i64, scratch_operands = 4 : i64, tpu.core_type = #tpu.core_type<sc_vector_subcore>, window_params = [{transform_indices = #map}, {transform_indices = #map1}, {transform_indices = #map1}]} {
    %mul3A = arith.constant 2 : i32
    %mul3A_0 = arith.muli %arg1, %mul3A : i32
    %add3A = arith.addi %mul3A_0, %arg0 : i32
    %mul3A_1 = arith.constant 256 : i32
    %mul3A_2 = arith.muli %add3A, %mul3A_1 : i32
    %add3A_3 = arith.constant 0 : i32
    %add3A_4 = arith.addi %mul3A_2, %add3A_3 : i32
    %run_scoped3A = arith.constant 0 : i32
    "tpu.region"() ({
      %run_scoped3A_110 = tpu.sem_alloc : memref<!tpu.dma_semaphore, #tpu.memory_space<semaphore_mem>>
      %dma_start3A_111 = arith.constant 0 : i32
      %dma_start3A_112 = tpu.memref_slice %arg5[%run_scoped3A, %dma_start3A_111] : memref<2x128xi32, #tpu.memory_space<vmem>> -> memref<1x128xi32, #tpu.memory_space<vmem>>
      %dma_start3A_113 = tpu.memref_squeeze %dma_start3A_112 : memref<1x128xi32, #tpu.memory_space<vmem>> -> memref<128xi32, #tpu.memory_space<vmem>>
      %dma_start3A_114 = tpu.memref_slice %arg2[%add3A_4] : memref<8192xi32, #tpu.memory_space<hbm>> -> memref<128xi32, #tpu.memory_space<hbm>>
      %dma_start3A_115 = arith.constant 0 : i32
      %dma_start3A_116 = tpu.memref_slice %arg5[%run_scoped3A, %dma_start3A_115] : memref<2x128xi32, #tpu.memory_space<vmem>> -> memref<1x128xi32, #tpu.memory_space<vmem>>
      %dma_start3A_117 = tpu.memref_squeeze %dma_start3A_116 : memref<1x128xi32, #tpu.memory_space<vmem>> -> memref<128xi32, #tpu.memory_space<vmem>>
      %dma_start3A_118 = tpu.memref_slice %arg2[%add3A_4] : memref<8192xi32, #tpu.memory_space<hbm>> -> memref<128xi32, #tpu.memory_space<hbm>>
      tpu.enqueue_dma source(%dma_start3A_118 : memref<128xi32, #tpu.memory_space<hbm>>) target(%dma_start3A_117 : memref<128xi32, #tpu.memory_space<vmem>>) target_semaphore(%run_scoped3A_110 : memref<!tpu.dma_semaphore, #tpu.memory_space<semaphore_mem>>)
      %dma_wait3A_119 = arith.constant 0 : i32
      %dma_wait3A_120 = tpu.memref_slice %arg5[%run_scoped3A, %dma_wait3A_119] : memref<2x128xi32, #tpu.memory_space<vmem>> -> memref<1x128xi32, #tpu.memory_space<vmem>>
      %dma_wait3A_121 = tpu.memref_squeeze %dma_wait3A_120 : memref<1x128xi32, #tpu.memory_space<vmem>> -> memref<128xi32, #tpu.memory_space<vmem>>
      %dma_wait3A_122 = tpu.memref_slice %arg2[%add3A_4] : memref<8192xi32, #tpu.memory_space<hbm>> -> memref<128xi32, #tpu.memory_space<hbm>>
      %dma_wait3A_123 = arith.constant 0 : i32
      %dma_wait3A_124 = tpu.memref_slice %arg5[%run_scoped3A, %dma_wait3A_123] : memref<2x128xi32, #tpu.memory_space<vmem>> -> memref<1x128xi32, #tpu.memory_space<vmem>>
      %dma_wait3A_125 = tpu.memref_squeeze %dma_wait3A_124 : memref<1x128xi32, #tpu.memory_space<vmem>> -> memref<128xi32, #tpu.memory_space<vmem>>
      %dma_wait3A_126 = tpu.memref_slice %arg2[%add3A_4] : memref<8192xi32, #tpu.memory_space<hbm>> -> memref<128xi32, #tpu.memory_space<hbm>>
      tpu.wait_dma2 semaphore(%run_scoped3A_110 : memref<!tpu.dma_semaphore, #tpu.memory_space<semaphore_mem>>) src(%dma_wait3A_126 : memref<128xi32, #tpu.memory_space<hbm>>) dst(%dma_wait3A_125 : memref<128xi32, #tpu.memory_space<vmem>>)
      tpu.yield
    }) : () -> ()
    %add3A_5 = arith.constant 128 : i32
    %add3A_6 = arith.addi %mul3A_2, %add3A_5 : i32
    %run_scoped3A_7 = arith.constant 1 : i32
    "tpu.region"() ({
      %run_scoped3A_110 = tpu.sem_alloc : memref<!tpu.dma_semaphore, #tpu.memory_space<semaphore_mem>>
      %dma_start3A_111 = arith.constant 0 : i32
      %dma_start3A_112 = tpu.memref_slice %arg5[%run_scoped3A_7, %dma_start3A_111] : memref<2x128xi32, #tpu.memory_space<vmem>> -> memref<1x128xi32, #tpu.memory_space<vmem>>
      %dma_start3A_113 = tpu.memref_squeeze %dma_start3A_112 : memref<1x128xi32, #tpu.memory_space<vmem>> -> memref<128xi32, #tpu.memory_space<vmem>>
      %dma_start3A_114 = tpu.memref_slice %arg2[%add3A_6] : memref<8192xi32, #tpu.memory_space<hbm>> -> memref<128xi32, #tpu.memory_space<hbm>>
      %dma_start3A_115 = arith.constant 0 : i32
      %dma_start3A_116 = tpu.memref_slice %arg5[%run_scoped3A_7, %dma_start3A_115] : memref<2x128xi32, #tpu.memory_space<vmem>> -> memref<1x128xi32, #tpu.memory_space<vmem>>
      %dma_start3A_117 = tpu.memref_squeeze %dma_start3A_116 : memref<1x128xi32, #tpu.memory_space<vmem>> -> memref<128xi32, #tpu.memory_space<vmem>>
      %dma_start3A_118 = tpu.memref_slice %arg2[%add3A_6] : memref<8192xi32, #tpu.memory_space<hbm>> -> memref<128xi32, #tpu.memory_space<hbm>>
      tpu.enqueue_dma source(%dma_start3A_118 : memref<128xi32, #tpu.memory_space<hbm>>) target(%dma_start3A_117 : memref<128xi32, #tpu.memory_space<vmem>>) target_semaphore(%run_scoped3A_110 : memref<!tpu.dma_semaphore, #tpu.memory_space<semaphore_mem>>)
      %dma_wait3A_119 = arith.constant 0 : i32
      %dma_wait3A_120 = tpu.memref_slice %arg5[%run_scoped3A_7, %dma_wait3A_119] : memref<2x128xi32, #tpu.memory_space<vmem>> -> memref<1x128xi32, #tpu.memory_space<vmem>>
      %dma_wait3A_121 = tpu.memref_squeeze %dma_wait3A_120 : memref<1x128xi32, #tpu.memory_space<vmem>> -> memref<128xi32, #tpu.memory_space<vmem>>
      %dma_wait3A_122 = tpu.memref_slice %arg2[%add3A_6] : memref<8192xi32, #tpu.memory_space<hbm>> -> memref<128xi32, #tpu.memory_space<hbm>>
      %dma_wait3A_123 = arith.constant 0 : i32
      %dma_wait3A_124 = tpu.memref_slice %arg5[%run_scoped3A_7, %dma_wait3A_123] : memref<2x128xi32, #tpu.memory_space<vmem>> -> memref<1x128xi32, #tpu.memory_space<vmem>>
      %dma_wait3A_125 = tpu.memref_squeeze %dma_wait3A_124 : memref<1x128xi32, #tpu.memory_space<vmem>> -> memref<128xi32, #tpu.memory_space<vmem>>
      %dma_wait3A_126 = tpu.memref_slice %arg2[%add3A_6] : memref<8192xi32, #tpu.memory_space<hbm>> -> memref<128xi32, #tpu.memory_space<hbm>>
      tpu.wait_dma2 semaphore(%run_scoped3A_110 : memref<!tpu.dma_semaphore, #tpu.memory_space<semaphore_mem>>) src(%dma_wait3A_126 : memref<128xi32, #tpu.memory_space<hbm>>) dst(%dma_wait3A_125 : memref<128xi32, #tpu.memory_space<vmem>>)
      tpu.yield
    }) : () -> ()
    %dma_start3A = arith.constant 0 : i32
    %dma_start3A_8 = arith.constant 0 : i32
    %dma_start3A_9 = arith.constant 0 : i32
    %dma_start3A_10 = arith.constant 0 : i32
    %dma_start3A_11 = tpu.memref_slice %arg6[%dma_start3A_8, %dma_start3A_9, %dma_start3A_10] : memref<2x128x256xf32, #tpu.memory_space<vmem>> -> memref<1x128x256xf32, #tpu.memory_space<vmem>>
    %dma_start3A_12 = tpu.memref_squeeze %dma_start3A_11 : memref<1x128x256xf32, #tpu.memory_space<vmem>> -> memref<128x256xf32, #tpu.memory_space<vmem>>
    %dma_start3A_13 = arith.constant 0 : i32
    %dma_start3A_14 = tpu.memref_slice %arg5[%dma_start3A, %dma_start3A_13] : memref<2x128xi32, #tpu.memory_space<vmem>> -> memref<1x128xi32, #tpu.memory_space<vmem>>
    %dma_start3A_15 = tpu.memref_squeeze %dma_start3A_14 : memref<1x128xi32, #tpu.memory_space<vmem>> -> memref<128xi32, #tpu.memory_space<vmem>>
    %dma_start3A_16 = arith.constant 0 : i32
    %dma_start3A_17 = arith.constant 0 : i32
    %dma_start3A_18 = tpu.memref_slice %arg3[%dma_start3A_16, %dma_start3A_17] : memref<8192x256xf32, #tpu.memory_space<hbm>> -> memref<8192x256xf32, #tpu.memory_space<hbm>>
    tpu.enqueue_indirect_dma source(%dma_start3A_18 : memref<8192x256xf32, #tpu.memory_space<hbm>>) target(%dma_start3A_12 : memref<128x256xf32, #tpu.memory_space<vmem>>) offsets(%dma_start3A_15 : memref<128xi32, #tpu.memory_space<vmem>>) semaphore(%arg7 : memref<!tpu.dma_semaphore, #tpu.memory_space<semaphore_mem>>)
    %dma_start3A_19 = arith.constant 1 : i32
    %dma_start3A_20 = arith.constant 1 : i32
    %dma_start3A_21 = arith.constant 0 : i32
    %dma_start3A_22 = arith.constant 0 : i32
    %dma_start3A_23 = tpu.memref_slice %arg6[%dma_start3A_20, %dma_start3A_21, %dma_start3A_22] : memref<2x128x256xf32, #tpu.memory_space<vmem>> -> memref<1x128x256xf32, #tpu.memory_space<vmem>>
    %dma_start3A_24 = tpu.memref_squeeze %dma_start3A_23 : memref<1x128x256xf32, #tpu.memory_space<vmem>> -> memref<128x256xf32, #tpu.memory_space<vmem>>
    %dma_start3A_25 = arith.constant 0 : i32
    %dma_start3A_26 = tpu.memref_slice %arg5[%dma_start3A_19, %dma_start3A_25] : memref<2x128xi32, #tpu.memory_space<vmem>> -> memref<1x128xi32, #tpu.memory_space<vmem>>
    %dma_start3A_27 = tpu.memref_squeeze %dma_start3A_26 : memref<1x128xi32, #tpu.memory_space<vmem>> -> memref<128xi32, #tpu.memory_space<vmem>>
    %dma_start3A_28 = arith.constant 0 : i32
    %dma_start3A_29 = arith.constant 0 : i32
    %dma_start3A_30 = tpu.memref_slice %arg3[%dma_start3A_28, %dma_start3A_29] : memref<8192x256xf32, #tpu.memory_space<hbm>> -> memref<8192x256xf32, #tpu.memory_space<hbm>>
    tpu.enqueue_indirect_dma source(%dma_start3A_30 : memref<8192x256xf32, #tpu.memory_space<hbm>>) target(%dma_start3A_24 : memref<128x256xf32, #tpu.memory_space<vmem>>) offsets(%dma_start3A_27 : memref<128xi32, #tpu.memory_space<vmem>>) semaphore(%arg7 : memref<!tpu.dma_semaphore, #tpu.memory_space<semaphore_mem>>)
    %dma_wait3A = arith.constant 0 : i32
    %dma_wait3A_31 = arith.constant 0 : i32
    %dma_wait3A_32 = arith.constant 0 : i32
    %dma_wait3A_33 = arith.constant 0 : i32
    %dma_wait3A_34 = tpu.memref_slice %arg6[%dma_wait3A_31, %dma_wait3A_32, %dma_wait3A_33] : memref<2x128x256xf32, #tpu.memory_space<vmem>> -> memref<1x128x256xf32, #tpu.memory_space<vmem>>
    %dma_wait3A_35 = tpu.memref_squeeze %dma_wait3A_34 : memref<1x128x256xf32, #tpu.memory_space<vmem>> -> memref<128x256xf32, #tpu.memory_space<vmem>>
    %dma_wait3A_36 = arith.constant 0 : i32
    %dma_wait3A_37 = tpu.memref_slice %arg5[%dma_wait3A, %dma_wait3A_36] : memref<2x128xi32, #tpu.memory_space<vmem>> -> memref<1x128xi32, #tpu.memory_space<vmem>>
    %dma_wait3A_38 = tpu.memref_squeeze %dma_wait3A_37 : memref<1x128xi32, #tpu.memory_space<vmem>> -> memref<128xi32, #tpu.memory_space<vmem>>
    %dma_wait3A_39 = arith.constant 0 : i32
    %dma_wait3A_40 = arith.constant 0 : i32
    %dma_wait3A_41 = tpu.memref_slice %arg3[%dma_wait3A_39, %dma_wait3A_40] : memref<8192x256xf32, #tpu.memory_space<hbm>> -> memref<8192x256xf32, #tpu.memory_space<hbm>>
    tpu.wait_indirect_dma semaphore(%arg7 : memref<!tpu.dma_semaphore, #tpu.memory_space<semaphore_mem>>) src(%dma_wait3A_41 : memref<8192x256xf32, #tpu.memory_space<hbm>>) dst(%dma_wait3A_35 : memref<128x256xf32, #tpu.memory_space<vmem>>)
    %add3A_42 = arith.constant 0 : i32
    %add3A_43 = arith.addi %mul3A_2, %add3A_42 : i32
    %dma_start3A_44 = arith.constant 0 : i32
    %dma_start3A_45 = arith.constant 0 : i32
    %dma_start3A_46 = arith.constant 0 : i32
    %dma_start3A_47 = tpu.memref_slice %arg6[%dma_start3A_44, %dma_start3A_45, %dma_start3A_46] : memref<2x128x256xf32, #tpu.memory_space<vmem>> -> memref<1x128x256xf32, #tpu.memory_space<vmem>>
    %dma_start3A_48 = tpu.memref_squeeze %dma_start3A_47 : memref<1x128x256xf32, #tpu.memory_space<vmem>> -> memref<128x256xf32, #tpu.memory_space<vmem>>
    %dma_start3A_49 = arith.constant 0 : i32
    %dma_start3A_50 = tpu.memref_slice %arg4[%add3A_43, %dma_start3A_49] : memref<8192x256xf32, #tpu.memory_space<hbm>> -> memref<128x256xf32, #tpu.memory_space<hbm>>
    %dma_start3A_51 = arith.constant 0 : i32
    %dma_start3A_52 = tpu.memref_slice %arg4[%add3A_43, %dma_start3A_51] : memref<8192x256xf32, #tpu.memory_space<hbm>> -> memref<128x256xf32, #tpu.memory_space<hbm>>
    %dma_start3A_53 = arith.constant 0 : i32
    %dma_start3A_54 = arith.constant 0 : i32
    %dma_start3A_55 = tpu.memref_slice %arg6[%dma_start3A_44, %dma_start3A_53, %dma_start3A_54] : memref<2x128x256xf32, #tpu.memory_space<vmem>> -> memref<1x128x256xf32, #tpu.memory_space<vmem>>
    %dma_start3A_56 = tpu.memref_squeeze %dma_start3A_55 : memref<1x128x256xf32, #tpu.memory_space<vmem>> -> memref<128x256xf32, #tpu.memory_space<vmem>>
    tpu.enqueue_dma source(%dma_start3A_56 : memref<128x256xf32, #tpu.memory_space<vmem>>) target(%dma_start3A_52 : memref<128x256xf32, #tpu.memory_space<hbm>>) target_semaphore(%arg8 : memref<!tpu.dma_semaphore, #tpu.memory_space<semaphore_mem>>)
    %dma_wait3A_57 = arith.constant 1 : i32
    %dma_wait3A_58 = arith.constant 1 : i32
    %dma_wait3A_59 = arith.constant 0 : i32
    %dma_wait3A_60 = arith.constant 0 : i32
    %dma_wait3A_61 = tpu.memref_slice %arg6[%dma_wait3A_58, %dma_wait3A_59, %dma_wait3A_60] : memref<2x128x256xf32, #tpu.memory_space<vmem>> -> memref<1x128x256xf32, #tpu.memory_space<vmem>>
    %dma_wait3A_62 = tpu.memref_squeeze %dma_wait3A_61 : memref<1x128x256xf32, #tpu.memory_space<vmem>> -> memref<128x256xf32, #tpu.memory_space<vmem>>
    %dma_wait3A_63 = arith.constant 0 : i32
    %dma_wait3A_64 = tpu.memref_slice %arg5[%dma_wait3A_57, %dma_wait3A_63] : memref<2x128xi32, #tpu.memory_space<vmem>> -> memref<1x128xi32, #tpu.memory_space<vmem>>
    %dma_wait3A_65 = tpu.memref_squeeze %dma_wait3A_64 : memref<1x128xi32, #tpu.memory_space<vmem>> -> memref<128xi32, #tpu.memory_space<vmem>>
    %dma_wait3A_66 = arith.constant 0 : i32
    %dma_wait3A_67 = arith.constant 0 : i32
    %dma_wait3A_68 = tpu.memref_slice %arg3[%dma_wait3A_66, %dma_wait3A_67] : memref<8192x256xf32, #tpu.memory_space<hbm>> -> memref<8192x256xf32, #tpu.memory_space<hbm>>
    tpu.wait_indirect_dma semaphore(%arg7 : memref<!tpu.dma_semaphore, #tpu.memory_space<semaphore_mem>>) src(%dma_wait3A_68 : memref<8192x256xf32, #tpu.memory_space<hbm>>) dst(%dma_wait3A_62 : memref<128x256xf32, #tpu.memory_space<vmem>>)
    %add3A_69 = arith.constant 128 : i32
    %add3A_70 = arith.addi %mul3A_2, %add3A_69 : i32
    %dma_start3A_71 = arith.constant 1 : i32
    %dma_start3A_72 = arith.constant 0 : i32
    %dma_start3A_73 = arith.constant 0 : i32
    %dma_start3A_74 = tpu.memref_slice %arg6[%dma_start3A_71, %dma_start3A_72, %dma_start3A_73] : memref<2x128x256xf32, #tpu.memory_space<vmem>> -> memref<1x128x256xf32, #tpu.memory_space<vmem>>
    %dma_start3A_75 = tpu.memref_squeeze %dma_start3A_74 : memref<1x128x256xf32, #tpu.memory_space<vmem>> -> memref<128x256xf32, #tpu.memory_space<vmem>>
    %dma_start3A_76 = arith.constant 0 : i32
    %dma_start3A_77 = tpu.memref_slice %arg4[%add3A_70, %dma_start3A_76] : memref<8192x256xf32, #tpu.memory_space<hbm>> -> memref<128x256xf32, #tpu.memory_space<hbm>>
    %dma_start3A_78 = arith.constant 0 : i32
    %dma_start3A_79 = tpu.memref_slice %arg4[%add3A_70, %dma_start3A_78] : memref<8192x256xf32, #tpu.memory_space<hbm>> -> memref<128x256xf32, #tpu.memory_space<hbm>>
    %dma_start3A_80 = arith.constant 0 : i32
    %dma_start3A_81 = arith.constant 0 : i32
    %dma_start3A_82 = tpu.memref_slice %arg6[%dma_start3A_71, %dma_start3A_80, %dma_start3A_81] : memref<2x128x256xf32, #tpu.memory_space<vmem>> -> memref<1x128x256xf32, #tpu.memory_space<vmem>>
    %dma_start3A_83 = tpu.memref_squeeze %dma_start3A_82 : memref<1x128x256xf32, #tpu.memory_space<vmem>> -> memref<128x256xf32, #tpu.memory_space<vmem>>
    tpu.enqueue_dma source(%dma_start3A_83 : memref<128x256xf32, #tpu.memory_space<vmem>>) target(%dma_start3A_79 : memref<128x256xf32, #tpu.memory_space<hbm>>) target_semaphore(%arg8 : memref<!tpu.dma_semaphore, #tpu.memory_space<semaphore_mem>>)
    %dma_wait3A_84 = arith.constant 0 : i32
    %dma_wait3A_85 = arith.constant 0 : i32
    %dma_wait3A_86 = arith.constant 0 : i32
    %dma_wait3A_87 = tpu.memref_slice %arg6[%dma_wait3A_84, %dma_wait3A_85, %dma_wait3A_86] : memref<2x128x256xf32, #tpu.memory_space<vmem>> -> memref<1x128x256xf32, #tpu.memory_space<vmem>>
    %dma_wait3A_88 = tpu.memref_squeeze %dma_wait3A_87 : memref<1x128x256xf32, #tpu.memory_space<vmem>> -> memref<128x256xf32, #tpu.memory_space<vmem>>
    %dma_wait3A_89 = arith.constant 0 : i32
    %dma_wait3A_90 = tpu.memref_slice %arg4[%add3A_43, %dma_wait3A_89] : memref<8192x256xf32, #tpu.memory_space<hbm>> -> memref<128x256xf32, #tpu.memory_space<hbm>>
    %dma_wait3A_91 = arith.constant 0 : i32
    %dma_wait3A_92 = tpu.memref_slice %arg4[%add3A_43, %dma_wait3A_91] : memref<8192x256xf32, #tpu.memory_space<hbm>> -> memref<128x256xf32, #tpu.memory_space<hbm>>
    %dma_wait3A_93 = arith.constant 0 : i32
    %dma_wait3A_94 = arith.constant 0 : i32
    %dma_wait3A_95 = tpu.memref_slice %arg6[%dma_wait3A_84, %dma_wait3A_93, %dma_wait3A_94] : memref<2x128x256xf32, #tpu.memory_space<vmem>> -> memref<1x128x256xf32, #tpu.memory_space<vmem>>
    %dma_wait3A_96 = tpu.memref_squeeze %dma_wait3A_95 : memref<1x128x256xf32, #tpu.memory_space<vmem>> -> memref<128x256xf32, #tpu.memory_space<vmem>>
    tpu.wait_dma2 semaphore(%arg8 : memref<!tpu.dma_semaphore, #tpu.memory_space<semaphore_mem>>) src(%dma_wait3A_96 : memref<128x256xf32, #tpu.memory_space<vmem>>) dst(%dma_wait3A_92 : memref<128x256xf32, #tpu.memory_space<hbm>>)
    %dma_wait3A_97 = arith.constant 1 : i32
    %dma_wait3A_98 = arith.constant 0 : i32
    %dma_wait3A_99 = arith.constant 0 : i32
    %dma_wait3A_100 = tpu.memref_slice %arg6[%dma_wait3A_97, %dma_wait3A_98, %dma_wait3A_99] : memref<2x128x256xf32, #tpu.memory_space<vmem>> -> memref<1x128x256xf32, #tpu.memory_space<vmem>>
    %dma_wait3A_101 = tpu.memref_squeeze %dma_wait3A_100 : memref<1x128x256xf32, #tpu.memory_space<vmem>> -> memref<128x256xf32, #tpu.memory_space<vmem>>
    %dma_wait3A_102 = arith.constant 0 : i32
    %dma_wait3A_103 = tpu.memref_slice %arg4[%add3A_70, %dma_wait3A_102] : memref<8192x256xf32, #tpu.memory_space<hbm>> -> memref<128x256xf32, #tpu.memory_space<hbm>>
    %dma_wait3A_104 = arith.constant 0 : i32
    %dma_wait3A_105 = tpu.memref_slice %arg4[%add3A_70, %dma_wait3A_104] : memref<8192x256xf32, #tpu.memory_space<hbm>> -> memref<128x256xf32, #tpu.memory_space<hbm>>
    %dma_wait3A_106 = arith.constant 0 : i32
    %dma_wait3A_107 = arith.constant 0 : i32
    %dma_wait3A_108 = tpu.memref_slice %arg6[%dma_wait3A_97, %dma_wait3A_106, %dma_wait3A_107] : memref<2x128x256xf32, #tpu.memory_space<vmem>> -> memref<1x128x256xf32, #tpu.memory_space<vmem>>
    %dma_wait3A_109 = tpu.memref_squeeze %dma_wait3A_108 : memref<1x128x256xf32, #tpu.memory_space<vmem>> -> memref<128x256xf32, #tpu.memory_space<vmem>>
    tpu.wait_dma2 semaphore(%arg8 : memref<!tpu.dma_semaphore, #tpu.memory_space<semaphore_mem>>) src(%dma_wait3A_109 : memref<128x256xf32, #tpu.memory_space<vmem>>) dst(%dma_wait3A_105 : memref<128x256xf32, #tpu.memory_space<hbm>>)
    return
  }
}

module attributes {stable_mosaic.version = 14 : i64} {
  func.func @_vq_body(%arg0: i32, %arg1: memref<256x256xf32, #tpu.memory_space<vmem>>, %arg2: memref<1x8192xf32, #tpu.memory_space<vmem>>, %arg3: memref<8192x256xf32, #tpu.memory_space<vmem>>, %arg4: memref<256x8192xf32, #tpu.memory_space<vmem>>, %arg5: memref<256x1xi32, #tpu.memory_space<vmem>>, %arg6: memref<1x1xf32, #tpu.memory_space<vmem>>, %arg7: memref<1x1xf32, #tpu.memory_space<vmem>>, %arg8: memref<1x8192xf32, #tpu.memory_space<vmem>>, %arg9: memref<1x1xf32, #tpu.memory_space<smem>>) attributes {dimension_semantics = [#tpu.dimension_semantics<arbitrary>], iteration_bounds = array<i64: 32>, scalar_prefetch = 0 : i64, scratch_operands = 2 : i64, tpu.core_type = #tpu.core_type<tc>, window_params = [{transform_indices = @transform_0, window_bounds = array<i64: 256, 256>}, {pipeline_mode = #tpu.pipeline_mode<synchronous>, transform_indices = @transform_1, window_bounds = array<i64: 1, 8192>}, {pipeline_mode = #tpu.pipeline_mode<synchronous>, transform_indices = @transform_2, window_bounds = array<i64: 8192, 256>}, {transform_indices = @transform_3, window_bounds = array<i64: 256, 8192>}, {transform_indices = @transform_4, window_bounds = array<i64: 256, 1>}, {pipeline_mode = #tpu.pipeline_mode<synchronous>, transform_indices = @transform_5, window_bounds = array<i64: 1, 1>}, {pipeline_mode = #tpu.pipeline_mode<synchronous>, transform_indices = @transform_6, window_bounds = array<i64: 1, 1>}]} {
    %get3A = arith.constant 0 : index
    %get3A_0 = arith.constant 0 : index
    %get3A_1 = vector.load %arg1[%get3A, %get3A_0] : memref<256x256xf32, #tpu.memory_space<vmem>>, vector<256x256xf32>
    %get3A_2 = arith.constant 0 : index
    %get3A_3 = arith.constant 0 : index
    %get3A_4 = vector.load %arg3[%get3A_2, %get3A_3] : memref<8192x256xf32, #tpu.memory_space<vmem>>, vector<8192x256xf32>
    %dot_general3A = arith.constant dense<0.000000e+00> : vector<256x8192xf32>
    %dot_general3A_5 = tpu.matmul %get3A_1, %get3A_4, %dot_general3A {dimension_numbers = #tpu.dot_dimension_numbers<[1], [1], [0], [0], [0, 0, 1, 0], [], []>, transpose_lhs_hint = false} : vector<256x256xf32>, vector<8192x256xf32>, vector<256x8192xf32> -> vector<256x8192xf32>
    %mul3A = arith.mulf %get3A_1, %get3A_1 : vector<256x256xf32>
    %reduce_sum3A = arith.constant dense<0.000000e+00> : vector<256xf32>
    %reduce_sum3A_6 = vector.multi_reduction <add>, %mul3A, %reduce_sum3A [1] : vector<256x256xf32> to vector<256xf32>
    %broadcast_in_dim3A = vector.shape_cast %reduce_sum3A_6 : vector<256xf32> to vector<256x1xf32>
    %iota3A = tpu.iota {dimensions = array<i32: 1>} : vector<256x128xi32>
    %convert_element_type3A = arith.sitofp %iota3A : vector<256x128xi32> to vector<256x128xf32>
    %get3A_7 = arith.constant 0 : index
    %get3A_8 = arith.constant 0 : index
    %get3A_9 = vector.load %arg2[%get3A_7, %get3A_8] : memref<1x8192xf32, #tpu.memory_space<vmem>>, vector<1x128xf32>
    %add3A = vector.broadcast %broadcast_in_dim3A : vector<256x1xf32> to vector<256x128xf32>
    %add3A_10 = vector.broadcast %get3A_9 : vector<1x128xf32> to vector<256x128xf32>
    %add3A_11 = arith.addf %add3A, %add3A_10 : vector<256x128xf32>
    %slice3A = vector.extract_strided_slice %dot_general3A_5 {offsets = [0, 0], sizes = [256, 128], strides = [1, 1]} : vector<256x8192xf32> to vector<256x128xf32>
    %mul3A_12 = arith.constant 2.000000e+00 : f32
    %mul3A_13 = vector.broadcast %mul3A_12 : f32 to vector<256x128xf32>
    %mul3A_14 = arith.mulf %mul3A_13, %slice3A : vector<256x128xf32>
    %sub3A = arith.subf %add3A_11, %mul3A_14 : vector<256x128xf32>
    %add3A_15 = arith.constant 0.000000e+00 : f32
    %add3A_16 = vector.broadcast %add3A_15 : f32 to vector<256x128xf32>
    %add3A_17 = arith.addf %convert_element_type3A, %add3A_16 : vector<256x128xf32>
    %get3A_18 = arith.constant 0 : index
    %get3A_19 = arith.constant 128 : index
    %get3A_20 = vector.load %arg2[%get3A_18, %get3A_19] : memref<1x8192xf32, #tpu.memory_space<vmem>>, vector<1x128xf32>
    %add3A_21 = vector.broadcast %broadcast_in_dim3A : vector<256x1xf32> to vector<256x128xf32>
    %add3A_22 = vector.broadcast %get3A_20 : vector<1x128xf32> to vector<256x128xf32>
    %add3A_23 = arith.addf %add3A_21, %add3A_22 : vector<256x128xf32>
    %slice3A_24 = vector.extract_strided_slice %dot_general3A_5 {offsets = [0, 128], sizes = [256, 128], strides = [1, 1]} : vector<256x8192xf32> to vector<256x128xf32>
    %mul3A_25 = arith.constant 2.000000e+00 : f32
    %mul3A_26 = vector.broadcast %mul3A_25 : f32 to vector<256x128xf32>
    %mul3A_27 = arith.mulf %mul3A_26, %slice3A_24 : vector<256x128xf32>
    %sub3A_28 = arith.subf %add3A_23, %mul3A_27 : vector<256x128xf32>
    %add3A_29 = arith.constant 1.280000e+02 : f32
    %add3A_30 = vector.broadcast %add3A_29 : f32 to vector<256x128xf32>
    %add3A_31 = arith.addf %convert_element_type3A, %add3A_30 : vector<256x128xf32>
    %lt3A = arith.cmpf olt, %sub3A_28, %sub3A : vector<256x128xf32>
    %min3A = arith.minimumf %sub3A, %sub3A_28 : vector<256x128xf32>
    %select_n3A = arith.select %lt3A, %add3A_31, %add3A_17 : vector<256x128xi1>, vector<256x128xf32>
    %get3A_32 = arith.constant 0 : index
    %get3A_33 = arith.constant 256 : index
    %get3A_34 = vector.load %arg2[%get3A_32, %get3A_33] : memref<1x8192xf32, #tpu.memory_space<vmem>>, vector<1x128xf32>
    %add3A_35 = vector.broadcast %broadcast_in_dim3A : vector<256x1xf32> to vector<256x128xf32>
    %add3A_36 = vector.broadcast %get3A_34 : vector<1x128xf32> to vector<256x128xf32>
    %add3A_37 = arith.addf %add3A_35, %add3A_36 : vector<256x128xf32>
    %slice3A_38 = vector.extract_strided_slice %dot_general3A_5 {offsets = [0, 256], sizes = [256, 128], strides = [1, 1]} : vector<256x8192xf32> to vector<256x128xf32>
    %mul3A_39 = arith.constant 2.000000e+00 : f32
    %mul3A_40 = vector.broadcast %mul3A_39 : f32 to vector<256x128xf32>
    %mul3A_41 = arith.mulf %mul3A_40, %slice3A_38 : vector<256x128xf32>
    %sub3A_42 = arith.subf %add3A_37, %mul3A_41 : vector<256x128xf32>
    %add3A_43 = arith.constant 2.560000e+02 : f32
    %add3A_44 = vector.broadcast %add3A_43 : f32 to vector<256x128xf32>
    %add3A_45 = arith.addf %convert_element_type3A, %add3A_44 : vector<256x128xf32>
    %lt3A_46 = arith.cmpf olt, %sub3A_42, %min3A : vector<256x128xf32>
    %min3A_47 = arith.minimumf %min3A, %sub3A_42 : vector<256x128xf32>
    %select_n3A_48 = arith.select %lt3A_46, %add3A_45, %select_n3A : vector<256x128xi1>, vector<256x128xf32>
    %get3A_49 = arith.constant 0 : index
    %get3A_50 = arith.constant 384 : index
    %get3A_51 = vector.load %arg2[%get3A_49, %get3A_50] : memref<1x8192xf32, #tpu.memory_space<vmem>>, vector<1x128xf32>
    %add3A_52 = vector.broadcast %broadcast_in_dim3A : vector<256x1xf32> to vector<256x128xf32>
    %add3A_53 = vector.broadcast %get3A_51 : vector<1x128xf32> to vector<256x128xf32>
    %add3A_54 = arith.addf %add3A_52, %add3A_53 : vector<256x128xf32>
    %slice3A_55 = vector.extract_strided_slice %dot_general3A_5 {offsets = [0, 384], sizes = [256, 128], strides = [1, 1]} : vector<256x8192xf32> to vector<256x128xf32>
    %mul3A_56 = arith.constant 2.000000e+00 : f32
    %mul3A_57 = vector.broadcast %mul3A_56 : f32 to vector<256x128xf32>
    %mul3A_58 = arith.mulf %mul3A_57, %slice3A_55 : vector<256x128xf32>
    %sub3A_59 = arith.subf %add3A_54, %mul3A_58 : vector<256x128xf32>
    %add3A_60 = arith.constant 3.840000e+02 : f32
    %add3A_61 = vector.broadcast %add3A_60 : f32 to vector<256x128xf32>
    %add3A_62 = arith.addf %convert_element_type3A, %add3A_61 : vector<256x128xf32>
    %lt3A_63 = arith.cmpf olt, %sub3A_59, %min3A_47 : vector<256x128xf32>
    %min3A_64 = arith.minimumf %min3A_47, %sub3A_59 : vector<256x128xf32>
    %select_n3A_65 = arith.select %lt3A_63, %add3A_62, %select_n3A_48 : vector<256x128xi1>, vector<256x128xf32>
    %get3A_66 = arith.constant 0 : index
    %get3A_67 = arith.constant 512 : index
    %get3A_68 = vector.load %arg2[%get3A_66, %get3A_67] : memref<1x8192xf32, #tpu.memory_space<vmem>>, vector<1x128xf32>
    %add3A_69 = vector.broadcast %broadcast_in_dim3A : vector<256x1xf32> to vector<256x128xf32>
    %add3A_70 = vector.broadcast %get3A_68 : vector<1x128xf32> to vector<256x128xf32>
    %add3A_71 = arith.addf %add3A_69, %add3A_70 : vector<256x128xf32>
    %slice3A_72 = vector.extract_strided_slice %dot_general3A_5 {offsets = [0, 512], sizes = [256, 128], strides = [1, 1]} : vector<256x8192xf32> to vector<256x128xf32>
    %mul3A_73 = arith.constant 2.000000e+00 : f32
    %mul3A_74 = vector.broadcast %mul3A_73 : f32 to vector<256x128xf32>
    %mul3A_75 = arith.mulf %mul3A_74, %slice3A_72 : vector<256x128xf32>
    %sub3A_76 = arith.subf %add3A_71, %mul3A_75 : vector<256x128xf32>
    %add3A_77 = arith.constant 5.120000e+02 : f32
    %add3A_78 = vector.broadcast %add3A_77 : f32 to vector<256x128xf32>
    %add3A_79 = arith.addf %convert_element_type3A, %add3A_78 : vector<256x128xf32>
    %lt3A_80 = arith.cmpf olt, %sub3A_76, %min3A_64 : vector<256x128xf32>
    %min3A_81 = arith.minimumf %min3A_64, %sub3A_76 : vector<256x128xf32>
    %select_n3A_82 = arith.select %lt3A_80, %add3A_79, %select_n3A_65 : vector<256x128xi1>, vector<256x128xf32>
    %get3A_83 = arith.constant 0 : index
    %get3A_84 = arith.constant 640 : index
    %get3A_85 = vector.load %arg2[%get3A_83, %get3A_84] : memref<1x8192xf32, #tpu.memory_space<vmem>>, vector<1x128xf32>
    %add3A_86 = vector.broadcast %broadcast_in_dim3A : vector<256x1xf32> to vector<256x128xf32>
    %add3A_87 = vector.broadcast %get3A_85 : vector<1x128xf32> to vector<256x128xf32>
    %add3A_88 = arith.addf %add3A_86, %add3A_87 : vector<256x128xf32>
    %slice3A_89 = vector.extract_strided_slice %dot_general3A_5 {offsets = [0, 640], sizes = [256, 128], strides = [1, 1]} : vector<256x8192xf32> to vector<256x128xf32>
    %mul3A_90 = arith.constant 2.000000e+00 : f32
    %mul3A_91 = vector.broadcast %mul3A_90 : f32 to vector<256x128xf32>
    %mul3A_92 = arith.mulf %mul3A_91, %slice3A_89 : vector<256x128xf32>
    %sub3A_93 = arith.subf %add3A_88, %mul3A_92 : vector<256x128xf32>
    %add3A_94 = arith.constant 6.400000e+02 : f32
    %add3A_95 = vector.broadcast %add3A_94 : f32 to vector<256x128xf32>
    %add3A_96 = arith.addf %convert_element_type3A, %add3A_95 : vector<256x128xf32>
    %lt3A_97 = arith.cmpf olt, %sub3A_93, %min3A_81 : vector<256x128xf32>
    %min3A_98 = arith.minimumf %min3A_81, %sub3A_93 : vector<256x128xf32>
    %select_n3A_99 = arith.select %lt3A_97, %add3A_96, %select_n3A_82 : vector<256x128xi1>, vector<256x128xf32>
    %get3A_100 = arith.constant 0 : index
    %get3A_101 = arith.constant 768 : index
    %get3A_102 = vector.load %arg2[%get3A_100, %get3A_101] : memref<1x8192xf32, #tpu.memory_space<vmem>>, vector<1x128xf32>
    %add3A_103 = vector.broadcast %broadcast_in_dim3A : vector<256x1xf32> to vector<256x128xf32>
    %add3A_104 = vector.broadcast %get3A_102 : vector<1x128xf32> to vector<256x128xf32>
    %add3A_105 = arith.addf %add3A_103, %add3A_104 : vector<256x128xf32>
    %slice3A_106 = vector.extract_strided_slice %dot_general3A_5 {offsets = [0, 768], sizes = [256, 128], strides = [1, 1]} : vector<256x8192xf32> to vector<256x128xf32>
    %mul3A_107 = arith.constant 2.000000e+00 : f32
    %mul3A_108 = vector.broadcast %mul3A_107 : f32 to vector<256x128xf32>
    %mul3A_109 = arith.mulf %mul3A_108, %slice3A_106 : vector<256x128xf32>
    %sub3A_110 = arith.subf %add3A_105, %mul3A_109 : vector<256x128xf32>
    %add3A_111 = arith.constant 7.680000e+02 : f32
    %add3A_112 = vector.broadcast %add3A_111 : f32 to vector<256x128xf32>
    %add3A_113 = arith.addf %convert_element_type3A, %add3A_112 : vector<256x128xf32>
    %lt3A_114 = arith.cmpf olt, %sub3A_110, %min3A_98 : vector<256x128xf32>
    %min3A_115 = arith.minimumf %min3A_98, %sub3A_110 : vector<256x128xf32>
    %select_n3A_116 = arith.select %lt3A_114, %add3A_113, %select_n3A_99 : vector<256x128xi1>, vector<256x128xf32>
    %get3A_117 = arith.constant 0 : index
    %get3A_118 = arith.constant 896 : index
    %get3A_119 = vector.load %arg2[%get3A_117, %get3A_118] : memref<1x8192xf32, #tpu.memory_space<vmem>>, vector<1x128xf32>
    %add3A_120 = vector.broadcast %broadcast_in_dim3A : vector<256x1xf32> to vector<256x128xf32>
    %add3A_121 = vector.broadcast %get3A_119 : vector<1x128xf32> to vector<256x128xf32>
    %add3A_122 = arith.addf %add3A_120, %add3A_121 : vector<256x128xf32>
    %slice3A_123 = vector.extract_strided_slice %dot_general3A_5 {offsets = [0, 896], sizes = [256, 128], strides = [1, 1]} : vector<256x8192xf32> to vector<256x128xf32>
    %mul3A_124 = arith.constant 2.000000e+00 : f32
    %mul3A_125 = vector.broadcast %mul3A_124 : f32 to vector<256x128xf32>
    %mul3A_126 = arith.mulf %mul3A_125, %slice3A_123 : vector<256x128xf32>
    %sub3A_127 = arith.subf %add3A_122, %mul3A_126 : vector<256x128xf32>
    %add3A_128 = arith.constant 8.960000e+02 : f32
    %add3A_129 = vector.broadcast %add3A_128 : f32 to vector<256x128xf32>
    %add3A_130 = arith.addf %convert_element_type3A, %add3A_129 : vector<256x128xf32>
    %lt3A_131 = arith.cmpf olt, %sub3A_127, %min3A_115 : vector<256x128xf32>
    %min3A_132 = arith.minimumf %min3A_115, %sub3A_127 : vector<256x128xf32>
    %select_n3A_133 = arith.select %lt3A_131, %add3A_130, %select_n3A_116 : vector<256x128xi1>, vector<256x128xf32>
    %get3A_134 = arith.constant 0 : index
    %get3A_135 = arith.constant 1024 : index
    %get3A_136 = vector.load %arg2[%get3A_134, %get3A_135] : memref<1x8192xf32, #tpu.memory_space<vmem>>, vector<1x128xf32>
    %add3A_137 = vector.broadcast %broadcast_in_dim3A : vector<256x1xf32> to vector<256x128xf32>
    %add3A_138 = vector.broadcast %get3A_136 : vector<1x128xf32> to vector<256x128xf32>
    %add3A_139 = arith.addf %add3A_137, %add3A_138 : vector<256x128xf32>
    %slice3A_140 = vector.extract_strided_slice %dot_general3A_5 {offsets = [0, 1024], sizes = [256, 128], strides = [1, 1]} : vector<256x8192xf32> to vector<256x128xf32>
    %mul3A_141 = arith.constant 2.000000e+00 : f32
    %mul3A_142 = vector.broadcast %mul3A_141 : f32 to vector<256x128xf32>
    %mul3A_143 = arith.mulf %mul3A_142, %slice3A_140 : vector<256x128xf32>
    %sub3A_144 = arith.subf %add3A_139, %mul3A_143 : vector<256x128xf32>
    %add3A_145 = arith.constant 1.024000e+03 : f32
    %add3A_146 = vector.broadcast %add3A_145 : f32 to vector<256x128xf32>
    %add3A_147 = arith.addf %convert_element_type3A, %add3A_146 : vector<256x128xf32>
    %lt3A_148 = arith.cmpf olt, %sub3A_144, %min3A_132 : vector<256x128xf32>
    %min3A_149 = arith.minimumf %min3A_132, %sub3A_144 : vector<256x128xf32>
    %select_n3A_150 = arith.select %lt3A_148, %add3A_147, %select_n3A_133 : vector<256x128xi1>, vector<256x128xf32>
    %get3A_151 = arith.constant 0 : index
    %get3A_152 = arith.constant 1152 : index
    %get3A_153 = vector.load %arg2[%get3A_151, %get3A_152] : memref<1x8192xf32, #tpu.memory_space<vmem>>, vector<1x128xf32>
    %add3A_154 = vector.broadcast %broadcast_in_dim3A : vector<256x1xf32> to vector<256x128xf32>
    %add3A_155 = vector.broadcast %get3A_153 : vector<1x128xf32> to vector<256x128xf32>
    %add3A_156 = arith.addf %add3A_154, %add3A_155 : vector<256x128xf32>
    %slice3A_157 = vector.extract_strided_slice %dot_general3A_5 {offsets = [0, 1152], sizes = [256, 128], strides = [1, 1]} : vector<256x8192xf32> to vector<256x128xf32>
    %mul3A_158 = arith.constant 2.000000e+00 : f32
    %mul3A_159 = vector.broadcast %mul3A_158 : f32 to vector<256x128xf32>
    %mul3A_160 = arith.mulf %mul3A_159, %slice3A_157 : vector<256x128xf32>
    %sub3A_161 = arith.subf %add3A_156, %mul3A_160 : vector<256x128xf32>
    %add3A_162 = arith.constant 1.152000e+03 : f32
    %add3A_163 = vector.broadcast %add3A_162 : f32 to vector<256x128xf32>
    %add3A_164 = arith.addf %convert_element_type3A, %add3A_163 : vector<256x128xf32>
    %lt3A_165 = arith.cmpf olt, %sub3A_161, %min3A_149 : vector<256x128xf32>
    %min3A_166 = arith.minimumf %min3A_149, %sub3A_161 : vector<256x128xf32>
    %select_n3A_167 = arith.select %lt3A_165, %add3A_164, %select_n3A_150 : vector<256x128xi1>, vector<256x128xf32>
    %get3A_168 = arith.constant 0 : index
    %get3A_169 = arith.constant 1280 : index
    %get3A_170 = vector.load %arg2[%get3A_168, %get3A_169] : memref<1x8192xf32, #tpu.memory_space<vmem>>, vector<1x128xf32>
    %add3A_171 = vector.broadcast %broadcast_in_dim3A : vector<256x1xf32> to vector<256x128xf32>
    %add3A_172 = vector.broadcast %get3A_170 : vector<1x128xf32> to vector<256x128xf32>
    %add3A_173 = arith.addf %add3A_171, %add3A_172 : vector<256x128xf32>
    %slice3A_174 = vector.extract_strided_slice %dot_general3A_5 {offsets = [0, 1280], sizes = [256, 128], strides = [1, 1]} : vector<256x8192xf32> to vector<256x128xf32>
    %mul3A_175 = arith.constant 2.000000e+00 : f32
    %mul3A_176 = vector.broadcast %mul3A_175 : f32 to vector<256x128xf32>
    %mul3A_177 = arith.mulf %mul3A_176, %slice3A_174 : vector<256x128xf32>
    %sub3A_178 = arith.subf %add3A_173, %mul3A_177 : vector<256x128xf32>
    %add3A_179 = arith.constant 1.280000e+03 : f32
    %add3A_180 = vector.broadcast %add3A_179 : f32 to vector<256x128xf32>
    %add3A_181 = arith.addf %convert_element_type3A, %add3A_180 : vector<256x128xf32>
    %lt3A_182 = arith.cmpf olt, %sub3A_178, %min3A_166 : vector<256x128xf32>
    %min3A_183 = arith.minimumf %min3A_166, %sub3A_178 : vector<256x128xf32>
    %select_n3A_184 = arith.select %lt3A_182, %add3A_181, %select_n3A_167 : vector<256x128xi1>, vector<256x128xf32>
    %get3A_185 = arith.constant 0 : index
    %get3A_186 = arith.constant 1408 : index
    %get3A_187 = vector.load %arg2[%get3A_185, %get3A_186] : memref<1x8192xf32, #tpu.memory_space<vmem>>, vector<1x128xf32>
    %add3A_188 = vector.broadcast %broadcast_in_dim3A : vector<256x1xf32> to vector<256x128xf32>
    %add3A_189 = vector.broadcast %get3A_187 : vector<1x128xf32> to vector<256x128xf32>
    %add3A_190 = arith.addf %add3A_188, %add3A_189 : vector<256x128xf32>
    %slice3A_191 = vector.extract_strided_slice %dot_general3A_5 {offsets = [0, 1408], sizes = [256, 128], strides = [1, 1]} : vector<256x8192xf32> to vector<256x128xf32>
    %mul3A_192 = arith.constant 2.000000e+00 : f32
    %mul3A_193 = vector.broadcast %mul3A_192 : f32 to vector<256x128xf32>
    %mul3A_194 = arith.mulf %mul3A_193, %slice3A_191 : vector<256x128xf32>
    %sub3A_195 = arith.subf %add3A_190, %mul3A_194 : vector<256x128xf32>
    %add3A_196 = arith.constant 1.408000e+03 : f32
    %add3A_197 = vector.broadcast %add3A_196 : f32 to vector<256x128xf32>
    %add3A_198 = arith.addf %convert_element_type3A, %add3A_197 : vector<256x128xf32>
    %lt3A_199 = arith.cmpf olt, %sub3A_195, %min3A_183 : vector<256x128xf32>
    %min3A_200 = arith.minimumf %min3A_183, %sub3A_195 : vector<256x128xf32>
    %select_n3A_201 = arith.select %lt3A_199, %add3A_198, %select_n3A_184 : vector<256x128xi1>, vector<256x128xf32>
    %get3A_202 = arith.constant 0 : index
    %get3A_203 = arith.constant 1536 : index
    %get3A_204 = vector.load %arg2[%get3A_202, %get3A_203] : memref<1x8192xf32, #tpu.memory_space<vmem>>, vector<1x128xf32>
    %add3A_205 = vector.broadcast %broadcast_in_dim3A : vector<256x1xf32> to vector<256x128xf32>
    %add3A_206 = vector.broadcast %get3A_204 : vector<1x128xf32> to vector<256x128xf32>
    %add3A_207 = arith.addf %add3A_205, %add3A_206 : vector<256x128xf32>
    %slice3A_208 = vector.extract_strided_slice %dot_general3A_5 {offsets = [0, 1536], sizes = [256, 128], strides = [1, 1]} : vector<256x8192xf32> to vector<256x128xf32>
    %mul3A_209 = arith.constant 2.000000e+00 : f32
    %mul3A_210 = vector.broadcast %mul3A_209 : f32 to vector<256x128xf32>
    %mul3A_211 = arith.mulf %mul3A_210, %slice3A_208 : vector<256x128xf32>
    %sub3A_212 = arith.subf %add3A_207, %mul3A_211 : vector<256x128xf32>
    %add3A_213 = arith.constant 1.536000e+03 : f32
    %add3A_214 = vector.broadcast %add3A_213 : f32 to vector<256x128xf32>
    %add3A_215 = arith.addf %convert_element_type3A, %add3A_214 : vector<256x128xf32>
    %lt3A_216 = arith.cmpf olt, %sub3A_212, %min3A_200 : vector<256x128xf32>
    %min3A_217 = arith.minimumf %min3A_200, %sub3A_212 : vector<256x128xf32>
    %select_n3A_218 = arith.select %lt3A_216, %add3A_215, %select_n3A_201 : vector<256x128xi1>, vector<256x128xf32>
    %get3A_219 = arith.constant 0 : index
    %get3A_220 = arith.constant 1664 : index
    %get3A_221 = vector.load %arg2[%get3A_219, %get3A_220] : memref<1x8192xf32, #tpu.memory_space<vmem>>, vector<1x128xf32>
    %add3A_222 = vector.broadcast %broadcast_in_dim3A : vector<256x1xf32> to vector<256x128xf32>
    %add3A_223 = vector.broadcast %get3A_221 : vector<1x128xf32> to vector<256x128xf32>
    %add3A_224 = arith.addf %add3A_222, %add3A_223 : vector<256x128xf32>
    %slice3A_225 = vector.extract_strided_slice %dot_general3A_5 {offsets = [0, 1664], sizes = [256, 128], strides = [1, 1]} : vector<256x8192xf32> to vector<256x128xf32>
    %mul3A_226 = arith.constant 2.000000e+00 : f32
    %mul3A_227 = vector.broadcast %mul3A_226 : f32 to vector<256x128xf32>
    %mul3A_228 = arith.mulf %mul3A_227, %slice3A_225 : vector<256x128xf32>
    %sub3A_229 = arith.subf %add3A_224, %mul3A_228 : vector<256x128xf32>
    %add3A_230 = arith.constant 1.664000e+03 : f32
    %add3A_231 = vector.broadcast %add3A_230 : f32 to vector<256x128xf32>
    %add3A_232 = arith.addf %convert_element_type3A, %add3A_231 : vector<256x128xf32>
    %lt3A_233 = arith.cmpf olt, %sub3A_229, %min3A_217 : vector<256x128xf32>
    %min3A_234 = arith.minimumf %min3A_217, %sub3A_229 : vector<256x128xf32>
    %select_n3A_235 = arith.select %lt3A_233, %add3A_232, %select_n3A_218 : vector<256x128xi1>, vector<256x128xf32>
    %get3A_236 = arith.constant 0 : index
    %get3A_237 = arith.constant 1792 : index
    %get3A_238 = vector.load %arg2[%get3A_236, %get3A_237] : memref<1x8192xf32, #tpu.memory_space<vmem>>, vector<1x128xf32>
    %add3A_239 = vector.broadcast %broadcast_in_dim3A : vector<256x1xf32> to vector<256x128xf32>
    %add3A_240 = vector.broadcast %get3A_238 : vector<1x128xf32> to vector<256x128xf32>
    %add3A_241 = arith.addf %add3A_239, %add3A_240 : vector<256x128xf32>
    %slice3A_242 = vector.extract_strided_slice %dot_general3A_5 {offsets = [0, 1792], sizes = [256, 128], strides = [1, 1]} : vector<256x8192xf32> to vector<256x128xf32>
    %mul3A_243 = arith.constant 2.000000e+00 : f32
    %mul3A_244 = vector.broadcast %mul3A_243 : f32 to vector<256x128xf32>
    %mul3A_245 = arith.mulf %mul3A_244, %slice3A_242 : vector<256x128xf32>
    %sub3A_246 = arith.subf %add3A_241, %mul3A_245 : vector<256x128xf32>
    %add3A_247 = arith.constant 1.792000e+03 : f32
    %add3A_248 = vector.broadcast %add3A_247 : f32 to vector<256x128xf32>
    %add3A_249 = arith.addf %convert_element_type3A, %add3A_248 : vector<256x128xf32>
    %lt3A_250 = arith.cmpf olt, %sub3A_246, %min3A_234 : vector<256x128xf32>
    %min3A_251 = arith.minimumf %min3A_234, %sub3A_246 : vector<256x128xf32>
    %select_n3A_252 = arith.select %lt3A_250, %add3A_249, %select_n3A_235 : vector<256x128xi1>, vector<256x128xf32>
    %get3A_253 = arith.constant 0 : index
    %get3A_254 = arith.constant 1920 : index
    %get3A_255 = vector.load %arg2[%get3A_253, %get3A_254] : memref<1x8192xf32, #tpu.memory_space<vmem>>, vector<1x128xf32>
    %add3A_256 = vector.broadcast %broadcast_in_dim3A : vector<256x1xf32> to vector<256x128xf32>
    %add3A_257 = vector.broadcast %get3A_255 : vector<1x128xf32> to vector<256x128xf32>
    %add3A_258 = arith.addf %add3A_256, %add3A_257 : vector<256x128xf32>
    %slice3A_259 = vector.extract_strided_slice %dot_general3A_5 {offsets = [0, 1920], sizes = [256, 128], strides = [1, 1]} : vector<256x8192xf32> to vector<256x128xf32>
    %mul3A_260 = arith.constant 2.000000e+00 : f32
    %mul3A_261 = vector.broadcast %mul3A_260 : f32 to vector<256x128xf32>
    %mul3A_262 = arith.mulf %mul3A_261, %slice3A_259 : vector<256x128xf32>
    %sub3A_263 = arith.subf %add3A_258, %mul3A_262 : vector<256x128xf32>
    %add3A_264 = arith.constant 1.920000e+03 : f32
    %add3A_265 = vector.broadcast %add3A_264 : f32 to vector<256x128xf32>
    %add3A_266 = arith.addf %convert_element_type3A, %add3A_265 : vector<256x128xf32>
    %lt3A_267 = arith.cmpf olt, %sub3A_263, %min3A_251 : vector<256x128xf32>
    %min3A_268 = arith.minimumf %min3A_251, %sub3A_263 : vector<256x128xf32>
    %select_n3A_269 = arith.select %lt3A_267, %add3A_266, %select_n3A_252 : vector<256x128xi1>, vector<256x128xf32>
    %get3A_270 = arith.constant 0 : index
    %get3A_271 = arith.constant 2048 : index
    %get3A_272 = vector.load %arg2[%get3A_270, %get3A_271] : memref<1x8192xf32, #tpu.memory_space<vmem>>, vector<1x128xf32>
    %add3A_273 = vector.broadcast %broadcast_in_dim3A : vector<256x1xf32> to vector<256x128xf32>
    %add3A_274 = vector.broadcast %get3A_272 : vector<1x128xf32> to vector<256x128xf32>
    %add3A_275 = arith.addf %add3A_273, %add3A_274 : vector<256x128xf32>
    %slice3A_276 = vector.extract_strided_slice %dot_general3A_5 {offsets = [0, 2048], sizes = [256, 128], strides = [1, 1]} : vector<256x8192xf32> to vector<256x128xf32>
    %mul3A_277 = arith.constant 2.000000e+00 : f32
    %mul3A_278 = vector.broadcast %mul3A_277 : f32 to vector<256x128xf32>
    %mul3A_279 = arith.mulf %mul3A_278, %slice3A_276 : vector<256x128xf32>
    %sub3A_280 = arith.subf %add3A_275, %mul3A_279 : vector<256x128xf32>
    %add3A_281 = arith.constant 2.048000e+03 : f32
    %add3A_282 = vector.broadcast %add3A_281 : f32 to vector<256x128xf32>
    %add3A_283 = arith.addf %convert_element_type3A, %add3A_282 : vector<256x128xf32>
    %lt3A_284 = arith.cmpf olt, %sub3A_280, %min3A_268 : vector<256x128xf32>
    %min3A_285 = arith.minimumf %min3A_268, %sub3A_280 : vector<256x128xf32>
    %select_n3A_286 = arith.select %lt3A_284, %add3A_283, %select_n3A_269 : vector<256x128xi1>, vector<256x128xf32>
    %get3A_287 = arith.constant 0 : index
    %get3A_288 = arith.constant 2176 : index
    %get3A_289 = vector.load %arg2[%get3A_287, %get3A_288] : memref<1x8192xf32, #tpu.memory_space<vmem>>, vector<1x128xf32>
    %add3A_290 = vector.broadcast %broadcast_in_dim3A : vector<256x1xf32> to vector<256x128xf32>
    %add3A_291 = vector.broadcast %get3A_289 : vector<1x128xf32> to vector<256x128xf32>
    %add3A_292 = arith.addf %add3A_290, %add3A_291 : vector<256x128xf32>
    %slice3A_293 = vector.extract_strided_slice %dot_general3A_5 {offsets = [0, 2176], sizes = [256, 128], strides = [1, 1]} : vector<256x8192xf32> to vector<256x128xf32>
    %mul3A_294 = arith.constant 2.000000e+00 : f32
    %mul3A_295 = vector.broadcast %mul3A_294 : f32 to vector<256x128xf32>
    %mul3A_296 = arith.mulf %mul3A_295, %slice3A_293 : vector<256x128xf32>
    %sub3A_297 = arith.subf %add3A_292, %mul3A_296 : vector<256x128xf32>
    %add3A_298 = arith.constant 2.176000e+03 : f32
    %add3A_299 = vector.broadcast %add3A_298 : f32 to vector<256x128xf32>
    %add3A_300 = arith.addf %convert_element_type3A, %add3A_299 : vector<256x128xf32>
    %lt3A_301 = arith.cmpf olt, %sub3A_297, %min3A_285 : vector<256x128xf32>
    %min3A_302 = arith.minimumf %min3A_285, %sub3A_297 : vector<256x128xf32>
    %select_n3A_303 = arith.select %lt3A_301, %add3A_300, %select_n3A_286 : vector<256x128xi1>, vector<256x128xf32>
    %get3A_304 = arith.constant 0 : index
    %get3A_305 = arith.constant 2304 : index
    %get3A_306 = vector.load %arg2[%get3A_304, %get3A_305] : memref<1x8192xf32, #tpu.memory_space<vmem>>, vector<1x128xf32>
    %add3A_307 = vector.broadcast %broadcast_in_dim3A : vector<256x1xf32> to vector<256x128xf32>
    %add3A_308 = vector.broadcast %get3A_306 : vector<1x128xf32> to vector<256x128xf32>
    %add3A_309 = arith.addf %add3A_307, %add3A_308 : vector<256x128xf32>
    %slice3A_310 = vector.extract_strided_slice %dot_general3A_5 {offsets = [0, 2304], sizes = [256, 128], strides = [1, 1]} : vector<256x8192xf32> to vector<256x128xf32>
    %mul3A_311 = arith.constant 2.000000e+00 : f32
    %mul3A_312 = vector.broadcast %mul3A_311 : f32 to vector<256x128xf32>
    %mul3A_313 = arith.mulf %mul3A_312, %slice3A_310 : vector<256x128xf32>
    %sub3A_314 = arith.subf %add3A_309, %mul3A_313 : vector<256x128xf32>
    %add3A_315 = arith.constant 2.304000e+03 : f32
    %add3A_316 = vector.broadcast %add3A_315 : f32 to vector<256x128xf32>
    %add3A_317 = arith.addf %convert_element_type3A, %add3A_316 : vector<256x128xf32>
    %lt3A_318 = arith.cmpf olt, %sub3A_314, %min3A_302 : vector<256x128xf32>
    %min3A_319 = arith.minimumf %min3A_302, %sub3A_314 : vector<256x128xf32>
    %select_n3A_320 = arith.select %lt3A_318, %add3A_317, %select_n3A_303 : vector<256x128xi1>, vector<256x128xf32>
    %get3A_321 = arith.constant 0 : index
    %get3A_322 = arith.constant 2432 : index
    %get3A_323 = vector.load %arg2[%get3A_321, %get3A_322] : memref<1x8192xf32, #tpu.memory_space<vmem>>, vector<1x128xf32>
    %add3A_324 = vector.broadcast %broadcast_in_dim3A : vector<256x1xf32> to vector<256x128xf32>
    %add3A_325 = vector.broadcast %get3A_323 : vector<1x128xf32> to vector<256x128xf32>
    %add3A_326 = arith.addf %add3A_324, %add3A_325 : vector<256x128xf32>
    %slice3A_327 = vector.extract_strided_slice %dot_general3A_5 {offsets = [0, 2432], sizes = [256, 128], strides = [1, 1]} : vector<256x8192xf32> to vector<256x128xf32>
    %mul3A_328 = arith.constant 2.000000e+00 : f32
    %mul3A_329 = vector.broadcast %mul3A_328 : f32 to vector<256x128xf32>
    %mul3A_330 = arith.mulf %mul3A_329, %slice3A_327 : vector<256x128xf32>
    %sub3A_331 = arith.subf %add3A_326, %mul3A_330 : vector<256x128xf32>
    %add3A_332 = arith.constant 2.432000e+03 : f32
    %add3A_333 = vector.broadcast %add3A_332 : f32 to vector<256x128xf32>
    %add3A_334 = arith.addf %convert_element_type3A, %add3A_333 : vector<256x128xf32>
    %lt3A_335 = arith.cmpf olt, %sub3A_331, %min3A_319 : vector<256x128xf32>
    %min3A_336 = arith.minimumf %min3A_319, %sub3A_331 : vector<256x128xf32>
    %select_n3A_337 = arith.select %lt3A_335, %add3A_334, %select_n3A_320 : vector<256x128xi1>, vector<256x128xf32>
    %get3A_338 = arith.constant 0 : index
    %get3A_339 = arith.constant 2560 : index
    %get3A_340 = vector.load %arg2[%get3A_338, %get3A_339] : memref<1x8192xf32, #tpu.memory_space<vmem>>, vector<1x128xf32>
    %add3A_341 = vector.broadcast %broadcast_in_dim3A : vector<256x1xf32> to vector<256x128xf32>
    %add3A_342 = vector.broadcast %get3A_340 : vector<1x128xf32> to vector<256x128xf32>
    %add3A_343 = arith.addf %add3A_341, %add3A_342 : vector<256x128xf32>
    %slice3A_344 = vector.extract_strided_slice %dot_general3A_5 {offsets = [0, 2560], sizes = [256, 128], strides = [1, 1]} : vector<256x8192xf32> to vector<256x128xf32>
    %mul3A_345 = arith.constant 2.000000e+00 : f32
    %mul3A_346 = vector.broadcast %mul3A_345 : f32 to vector<256x128xf32>
    %mul3A_347 = arith.mulf %mul3A_346, %slice3A_344 : vector<256x128xf32>
    %sub3A_348 = arith.subf %add3A_343, %mul3A_347 : vector<256x128xf32>
    %add3A_349 = arith.constant 2.560000e+03 : f32
    %add3A_350 = vector.broadcast %add3A_349 : f32 to vector<256x128xf32>
    %add3A_351 = arith.addf %convert_element_type3A, %add3A_350 : vector<256x128xf32>
    %lt3A_352 = arith.cmpf olt, %sub3A_348, %min3A_336 : vector<256x128xf32>
    %min3A_353 = arith.minimumf %min3A_336, %sub3A_348 : vector<256x128xf32>
    %select_n3A_354 = arith.select %lt3A_352, %add3A_351, %select_n3A_337 : vector<256x128xi1>, vector<256x128xf32>
    %get3A_355 = arith.constant 0 : index
    %get3A_356 = arith.constant 2688 : index
    %get3A_357 = vector.load %arg2[%get3A_355, %get3A_356] : memref<1x8192xf32, #tpu.memory_space<vmem>>, vector<1x128xf32>
    %add3A_358 = vector.broadcast %broadcast_in_dim3A : vector<256x1xf32> to vector<256x128xf32>
    %add3A_359 = vector.broadcast %get3A_357 : vector<1x128xf32> to vector<256x128xf32>
    %add3A_360 = arith.addf %add3A_358, %add3A_359 : vector<256x128xf32>
    %slice3A_361 = vector.extract_strided_slice %dot_general3A_5 {offsets = [0, 2688], sizes = [256, 128], strides = [1, 1]} : vector<256x8192xf32> to vector<256x128xf32>
    %mul3A_362 = arith.constant 2.000000e+00 : f32
    %mul3A_363 = vector.broadcast %mul3A_362 : f32 to vector<256x128xf32>
    %mul3A_364 = arith.mulf %mul3A_363, %slice3A_361 : vector<256x128xf32>
    %sub3A_365 = arith.subf %add3A_360, %mul3A_364 : vector<256x128xf32>
    %add3A_366 = arith.constant 2.688000e+03 : f32
    %add3A_367 = vector.broadcast %add3A_366 : f32 to vector<256x128xf32>
    %add3A_368 = arith.addf %convert_element_type3A, %add3A_367 : vector<256x128xf32>
    %lt3A_369 = arith.cmpf olt, %sub3A_365, %min3A_353 : vector<256x128xf32>
    %min3A_370 = arith.minimumf %min3A_353, %sub3A_365 : vector<256x128xf32>
    %select_n3A_371 = arith.select %lt3A_369, %add3A_368, %select_n3A_354 : vector<256x128xi1>, vector<256x128xf32>
    %get3A_372 = arith.constant 0 : index
    %get3A_373 = arith.constant 2816 : index
    %get3A_374 = vector.load %arg2[%get3A_372, %get3A_373] : memref<1x8192xf32, #tpu.memory_space<vmem>>, vector<1x128xf32>
    %add3A_375 = vector.broadcast %broadcast_in_dim3A : vector<256x1xf32> to vector<256x128xf32>
    %add3A_376 = vector.broadcast %get3A_374 : vector<1x128xf32> to vector<256x128xf32>
    %add3A_377 = arith.addf %add3A_375, %add3A_376 : vector<256x128xf32>
    %slice3A_378 = vector.extract_strided_slice %dot_general3A_5 {offsets = [0, 2816], sizes = [256, 128], strides = [1, 1]} : vector<256x8192xf32> to vector<256x128xf32>
    %mul3A_379 = arith.constant 2.000000e+00 : f32
    %mul3A_380 = vector.broadcast %mul3A_379 : f32 to vector<256x128xf32>
    %mul3A_381 = arith.mulf %mul3A_380, %slice3A_378 : vector<256x128xf32>
    %sub3A_382 = arith.subf %add3A_377, %mul3A_381 : vector<256x128xf32>
    %add3A_383 = arith.constant 2.816000e+03 : f32
    %add3A_384 = vector.broadcast %add3A_383 : f32 to vector<256x128xf32>
    %add3A_385 = arith.addf %convert_element_type3A, %add3A_384 : vector<256x128xf32>
    %lt3A_386 = arith.cmpf olt, %sub3A_382, %min3A_370 : vector<256x128xf32>
    %min3A_387 = arith.minimumf %min3A_370, %sub3A_382 : vector<256x128xf32>
    %select_n3A_388 = arith.select %lt3A_386, %add3A_385, %select_n3A_371 : vector<256x128xi1>, vector<256x128xf32>
    %get3A_389 = arith.constant 0 : index
    %get3A_390 = arith.constant 2944 : index
    %get3A_391 = vector.load %arg2[%get3A_389, %get3A_390] : memref<1x8192xf32, #tpu.memory_space<vmem>>, vector<1x128xf32>
    %add3A_392 = vector.broadcast %broadcast_in_dim3A : vector<256x1xf32> to vector<256x128xf32>
    %add3A_393 = vector.broadcast %get3A_391 : vector<1x128xf32> to vector<256x128xf32>
    %add3A_394 = arith.addf %add3A_392, %add3A_393 : vector<256x128xf32>
    %slice3A_395 = vector.extract_strided_slice %dot_general3A_5 {offsets = [0, 2944], sizes = [256, 128], strides = [1, 1]} : vector<256x8192xf32> to vector<256x128xf32>
    %mul3A_396 = arith.constant 2.000000e+00 : f32
    %mul3A_397 = vector.broadcast %mul3A_396 : f32 to vector<256x128xf32>
    %mul3A_398 = arith.mulf %mul3A_397, %slice3A_395 : vector<256x128xf32>
    %sub3A_399 = arith.subf %add3A_394, %mul3A_398 : vector<256x128xf32>
    %add3A_400 = arith.constant 2.944000e+03 : f32
    %add3A_401 = vector.broadcast %add3A_400 : f32 to vector<256x128xf32>
    %add3A_402 = arith.addf %convert_element_type3A, %add3A_401 : vector<256x128xf32>
    %lt3A_403 = arith.cmpf olt, %sub3A_399, %min3A_387 : vector<256x128xf32>
    %min3A_404 = arith.minimumf %min3A_387, %sub3A_399 : vector<256x128xf32>
    %select_n3A_405 = arith.select %lt3A_403, %add3A_402, %select_n3A_388 : vector<256x128xi1>, vector<256x128xf32>
    %get3A_406 = arith.constant 0 : index
    %get3A_407 = arith.constant 3072 : index
    %get3A_408 = vector.load %arg2[%get3A_406, %get3A_407] : memref<1x8192xf32, #tpu.memory_space<vmem>>, vector<1x128xf32>
    %add3A_409 = vector.broadcast %broadcast_in_dim3A : vector<256x1xf32> to vector<256x128xf32>
    %add3A_410 = vector.broadcast %get3A_408 : vector<1x128xf32> to vector<256x128xf32>
    %add3A_411 = arith.addf %add3A_409, %add3A_410 : vector<256x128xf32>
    %slice3A_412 = vector.extract_strided_slice %dot_general3A_5 {offsets = [0, 3072], sizes = [256, 128], strides = [1, 1]} : vector<256x8192xf32> to vector<256x128xf32>
    %mul3A_413 = arith.constant 2.000000e+00 : f32
    %mul3A_414 = vector.broadcast %mul3A_413 : f32 to vector<256x128xf32>
    %mul3A_415 = arith.mulf %mul3A_414, %slice3A_412 : vector<256x128xf32>
    %sub3A_416 = arith.subf %add3A_411, %mul3A_415 : vector<256x128xf32>
    %add3A_417 = arith.constant 3.072000e+03 : f32
    %add3A_418 = vector.broadcast %add3A_417 : f32 to vector<256x128xf32>
    %add3A_419 = arith.addf %convert_element_type3A, %add3A_418 : vector<256x128xf32>
    %lt3A_420 = arith.cmpf olt, %sub3A_416, %min3A_404 : vector<256x128xf32>
    %min3A_421 = arith.minimumf %min3A_404, %sub3A_416 : vector<256x128xf32>
    %select_n3A_422 = arith.select %lt3A_420, %add3A_419, %select_n3A_405 : vector<256x128xi1>, vector<256x128xf32>
    %get3A_423 = arith.constant 0 : index
    %get3A_424 = arith.constant 3200 : index
    %get3A_425 = vector.load %arg2[%get3A_423, %get3A_424] : memref<1x8192xf32, #tpu.memory_space<vmem>>, vector<1x128xf32>
    %add3A_426 = vector.broadcast %broadcast_in_dim3A : vector<256x1xf32> to vector<256x128xf32>
    %add3A_427 = vector.broadcast %get3A_425 : vector<1x128xf32> to vector<256x128xf32>
    %add3A_428 = arith.addf %add3A_426, %add3A_427 : vector<256x128xf32>
    %slice3A_429 = vector.extract_strided_slice %dot_general3A_5 {offsets = [0, 3200], sizes = [256, 128], strides = [1, 1]} : vector<256x8192xf32> to vector<256x128xf32>
    %mul3A_430 = arith.constant 2.000000e+00 : f32
    %mul3A_431 = vector.broadcast %mul3A_430 : f32 to vector<256x128xf32>
    %mul3A_432 = arith.mulf %mul3A_431, %slice3A_429 : vector<256x128xf32>
    %sub3A_433 = arith.subf %add3A_428, %mul3A_432 : vector<256x128xf32>
    %add3A_434 = arith.constant 3.200000e+03 : f32
    %add3A_435 = vector.broadcast %add3A_434 : f32 to vector<256x128xf32>
    %add3A_436 = arith.addf %convert_element_type3A, %add3A_435 : vector<256x128xf32>
    %lt3A_437 = arith.cmpf olt, %sub3A_433, %min3A_421 : vector<256x128xf32>
    %min3A_438 = arith.minimumf %min3A_421, %sub3A_433 : vector<256x128xf32>
    %select_n3A_439 = arith.select %lt3A_437, %add3A_436, %select_n3A_422 : vector<256x128xi1>, vector<256x128xf32>
    %get3A_440 = arith.constant 0 : index
    %get3A_441 = arith.constant 3328 : index
    %get3A_442 = vector.load %arg2[%get3A_440, %get3A_441] : memref<1x8192xf32, #tpu.memory_space<vmem>>, vector<1x128xf32>
    %add3A_443 = vector.broadcast %broadcast_in_dim3A : vector<256x1xf32> to vector<256x128xf32>
    %add3A_444 = vector.broadcast %get3A_442 : vector<1x128xf32> to vector<256x128xf32>
    %add3A_445 = arith.addf %add3A_443, %add3A_444 : vector<256x128xf32>
    %slice3A_446 = vector.extract_strided_slice %dot_general3A_5 {offsets = [0, 3328], sizes = [256, 128], strides = [1, 1]} : vector<256x8192xf32> to vector<256x128xf32>
    %mul3A_447 = arith.constant 2.000000e+00 : f32
    %mul3A_448 = vector.broadcast %mul3A_447 : f32 to vector<256x128xf32>
    %mul3A_449 = arith.mulf %mul3A_448, %slice3A_446 : vector<256x128xf32>
    %sub3A_450 = arith.subf %add3A_445, %mul3A_449 : vector<256x128xf32>
    %add3A_451 = arith.constant 3.328000e+03 : f32
    %add3A_452 = vector.broadcast %add3A_451 : f32 to vector<256x128xf32>
    %add3A_453 = arith.addf %convert_element_type3A, %add3A_452 : vector<256x128xf32>
    %lt3A_454 = arith.cmpf olt, %sub3A_450, %min3A_438 : vector<256x128xf32>
    %min3A_455 = arith.minimumf %min3A_438, %sub3A_450 : vector<256x128xf32>
    %select_n3A_456 = arith.select %lt3A_454, %add3A_453, %select_n3A_439 : vector<256x128xi1>, vector<256x128xf32>
    %get3A_457 = arith.constant 0 : index
    %get3A_458 = arith.constant 3456 : index
    %get3A_459 = vector.load %arg2[%get3A_457, %get3A_458] : memref<1x8192xf32, #tpu.memory_space<vmem>>, vector<1x128xf32>
    %add3A_460 = vector.broadcast %broadcast_in_dim3A : vector<256x1xf32> to vector<256x128xf32>
    %add3A_461 = vector.broadcast %get3A_459 : vector<1x128xf32> to vector<256x128xf32>
    %add3A_462 = arith.addf %add3A_460, %add3A_461 : vector<256x128xf32>
    %slice3A_463 = vector.extract_strided_slice %dot_general3A_5 {offsets = [0, 3456], sizes = [256, 128], strides = [1, 1]} : vector<256x8192xf32> to vector<256x128xf32>
    %mul3A_464 = arith.constant 2.000000e+00 : f32
    %mul3A_465 = vector.broadcast %mul3A_464 : f32 to vector<256x128xf32>
    %mul3A_466 = arith.mulf %mul3A_465, %slice3A_463 : vector<256x128xf32>
    %sub3A_467 = arith.subf %add3A_462, %mul3A_466 : vector<256x128xf32>
    %add3A_468 = arith.constant 3.456000e+03 : f32
    %add3A_469 = vector.broadcast %add3A_468 : f32 to vector<256x128xf32>
    %add3A_470 = arith.addf %convert_element_type3A, %add3A_469 : vector<256x128xf32>
    %lt3A_471 = arith.cmpf olt, %sub3A_467, %min3A_455 : vector<256x128xf32>
    %min3A_472 = arith.minimumf %min3A_455, %sub3A_467 : vector<256x128xf32>
    %select_n3A_473 = arith.select %lt3A_471, %add3A_470, %select_n3A_456 : vector<256x128xi1>, vector<256x128xf32>
    %get3A_474 = arith.constant 0 : index
    %get3A_475 = arith.constant 3584 : index
    %get3A_476 = vector.load %arg2[%get3A_474, %get3A_475] : memref<1x8192xf32, #tpu.memory_space<vmem>>, vector<1x128xf32>
    %add3A_477 = vector.broadcast %broadcast_in_dim3A : vector<256x1xf32> to vector<256x128xf32>
    %add3A_478 = vector.broadcast %get3A_476 : vector<1x128xf32> to vector<256x128xf32>
    %add3A_479 = arith.addf %add3A_477, %add3A_478 : vector<256x128xf32>
    %slice3A_480 = vector.extract_strided_slice %dot_general3A_5 {offsets = [0, 3584], sizes = [256, 128], strides = [1, 1]} : vector<256x8192xf32> to vector<256x128xf32>
    %mul3A_481 = arith.constant 2.000000e+00 : f32
    %mul3A_482 = vector.broadcast %mul3A_481 : f32 to vector<256x128xf32>
    %mul3A_483 = arith.mulf %mul3A_482, %slice3A_480 : vector<256x128xf32>
    %sub3A_484 = arith.subf %add3A_479, %mul3A_483 : vector<256x128xf32>
    %add3A_485 = arith.constant 3.584000e+03 : f32
    %add3A_486 = vector.broadcast %add3A_485 : f32 to vector<256x128xf32>
    %add3A_487 = arith.addf %convert_element_type3A, %add3A_486 : vector<256x128xf32>
    %lt3A_488 = arith.cmpf olt, %sub3A_484, %min3A_472 : vector<256x128xf32>
    %min3A_489 = arith.minimumf %min3A_472, %sub3A_484 : vector<256x128xf32>
    %select_n3A_490 = arith.select %lt3A_488, %add3A_487, %select_n3A_473 : vector<256x128xi1>, vector<256x128xf32>
    %get3A_491 = arith.constant 0 : index
    %get3A_492 = arith.constant 3712 : index
    %get3A_493 = vector.load %arg2[%get3A_491, %get3A_492] : memref<1x8192xf32, #tpu.memory_space<vmem>>, vector<1x128xf32>
    %add3A_494 = vector.broadcast %broadcast_in_dim3A : vector<256x1xf32> to vector<256x128xf32>
    %add3A_495 = vector.broadcast %get3A_493 : vector<1x128xf32> to vector<256x128xf32>
    %add3A_496 = arith.addf %add3A_494, %add3A_495 : vector<256x128xf32>
    %slice3A_497 = vector.extract_strided_slice %dot_general3A_5 {offsets = [0, 3712], sizes = [256, 128], strides = [1, 1]} : vector<256x8192xf32> to vector<256x128xf32>
    %mul3A_498 = arith.constant 2.000000e+00 : f32
    %mul3A_499 = vector.broadcast %mul3A_498 : f32 to vector<256x128xf32>
    %mul3A_500 = arith.mulf %mul3A_499, %slice3A_497 : vector<256x128xf32>
    %sub3A_501 = arith.subf %add3A_496, %mul3A_500 : vector<256x128xf32>
    %add3A_502 = arith.constant 3.712000e+03 : f32
    %add3A_503 = vector.broadcast %add3A_502 : f32 to vector<256x128xf32>
    %add3A_504 = arith.addf %convert_element_type3A, %add3A_503 : vector<256x128xf32>
    %lt3A_505 = arith.cmpf olt, %sub3A_501, %min3A_489 : vector<256x128xf32>
    %min3A_506 = arith.minimumf %min3A_489, %sub3A_501 : vector<256x128xf32>
    %select_n3A_507 = arith.select %lt3A_505, %add3A_504, %select_n3A_490 : vector<256x128xi1>, vector<256x128xf32>
    %get3A_508 = arith.constant 0 : index
    %get3A_509 = arith.constant 3840 : index
    %get3A_510 = vector.load %arg2[%get3A_508, %get3A_509] : memref<1x8192xf32, #tpu.memory_space<vmem>>, vector<1x128xf32>
    %add3A_511 = vector.broadcast %broadcast_in_dim3A : vector<256x1xf32> to vector<256x128xf32>
    %add3A_512 = vector.broadcast %get3A_510 : vector<1x128xf32> to vector<256x128xf32>
    %add3A_513 = arith.addf %add3A_511, %add3A_512 : vector<256x128xf32>
    %slice3A_514 = vector.extract_strided_slice %dot_general3A_5 {offsets = [0, 3840], sizes = [256, 128], strides = [1, 1]} : vector<256x8192xf32> to vector<256x128xf32>
    %mul3A_515 = arith.constant 2.000000e+00 : f32
    %mul3A_516 = vector.broadcast %mul3A_515 : f32 to vector<256x128xf32>
    %mul3A_517 = arith.mulf %mul3A_516, %slice3A_514 : vector<256x128xf32>
    %sub3A_518 = arith.subf %add3A_513, %mul3A_517 : vector<256x128xf32>
    %add3A_519 = arith.constant 3.840000e+03 : f32
    %add3A_520 = vector.broadcast %add3A_519 : f32 to vector<256x128xf32>
    %add3A_521 = arith.addf %convert_element_type3A, %add3A_520 : vector<256x128xf32>
    %lt3A_522 = arith.cmpf olt, %sub3A_518, %min3A_506 : vector<256x128xf32>
    %min3A_523 = arith.minimumf %min3A_506, %sub3A_518 : vector<256x128xf32>
    %select_n3A_524 = arith.select %lt3A_522, %add3A_521, %select_n3A_507 : vector<256x128xi1>, vector<256x128xf32>
    %get3A_525 = arith.constant 0 : index
    %get3A_526 = arith.constant 3968 : index
    %get3A_527 = vector.load %arg2[%get3A_525, %get3A_526] : memref<1x8192xf32, #tpu.memory_space<vmem>>, vector<1x128xf32>
    %add3A_528 = vector.broadcast %broadcast_in_dim3A : vector<256x1xf32> to vector<256x128xf32>
    %add3A_529 = vector.broadcast %get3A_527 : vector<1x128xf32> to vector<256x128xf32>
    %add3A_530 = arith.addf %add3A_528, %add3A_529 : vector<256x128xf32>
    %slice3A_531 = vector.extract_strided_slice %dot_general3A_5 {offsets = [0, 3968], sizes = [256, 128], strides = [1, 1]} : vector<256x8192xf32> to vector<256x128xf32>
    %mul3A_532 = arith.constant 2.000000e+00 : f32
    %mul3A_533 = vector.broadcast %mul3A_532 : f32 to vector<256x128xf32>
    %mul3A_534 = arith.mulf %mul3A_533, %slice3A_531 : vector<256x128xf32>
    %sub3A_535 = arith.subf %add3A_530, %mul3A_534 : vector<256x128xf32>
    %add3A_536 = arith.constant 3.968000e+03 : f32
    %add3A_537 = vector.broadcast %add3A_536 : f32 to vector<256x128xf32>
    %add3A_538 = arith.addf %convert_element_type3A, %add3A_537 : vector<256x128xf32>
    %lt3A_539 = arith.cmpf olt, %sub3A_535, %min3A_523 : vector<256x128xf32>
    %min3A_540 = arith.minimumf %min3A_523, %sub3A_535 : vector<256x128xf32>
    %select_n3A_541 = arith.select %lt3A_539, %add3A_538, %select_n3A_524 : vector<256x128xi1>, vector<256x128xf32>
    %get3A_542 = arith.constant 0 : index
    %get3A_543 = arith.constant 4096 : index
    %get3A_544 = vector.load %arg2[%get3A_542, %get3A_543] : memref<1x8192xf32, #tpu.memory_space<vmem>>, vector<1x128xf32>
    %add3A_545 = vector.broadcast %broadcast_in_dim3A : vector<256x1xf32> to vector<256x128xf32>
    %add3A_546 = vector.broadcast %get3A_544 : vector<1x128xf32> to vector<256x128xf32>
    %add3A_547 = arith.addf %add3A_545, %add3A_546 : vector<256x128xf32>
    %slice3A_548 = vector.extract_strided_slice %dot_general3A_5 {offsets = [0, 4096], sizes = [256, 128], strides = [1, 1]} : vector<256x8192xf32> to vector<256x128xf32>
    %mul3A_549 = arith.constant 2.000000e+00 : f32
    %mul3A_550 = vector.broadcast %mul3A_549 : f32 to vector<256x128xf32>
    %mul3A_551 = arith.mulf %mul3A_550, %slice3A_548 : vector<256x128xf32>
    %sub3A_552 = arith.subf %add3A_547, %mul3A_551 : vector<256x128xf32>
    %add3A_553 = arith.constant 4.096000e+03 : f32
    %add3A_554 = vector.broadcast %add3A_553 : f32 to vector<256x128xf32>
    %add3A_555 = arith.addf %convert_element_type3A, %add3A_554 : vector<256x128xf32>
    %lt3A_556 = arith.cmpf olt, %sub3A_552, %min3A_540 : vector<256x128xf32>
    %min3A_557 = arith.minimumf %min3A_540, %sub3A_552 : vector<256x128xf32>
    %select_n3A_558 = arith.select %lt3A_556, %add3A_555, %select_n3A_541 : vector<256x128xi1>, vector<256x128xf32>
    %get3A_559 = arith.constant 0 : index
    %get3A_560 = arith.constant 4224 : index
    %get3A_561 = vector.load %arg2[%get3A_559, %get3A_560] : memref<1x8192xf32, #tpu.memory_space<vmem>>, vector<1x128xf32>
    %add3A_562 = vector.broadcast %broadcast_in_dim3A : vector<256x1xf32> to vector<256x128xf32>
    %add3A_563 = vector.broadcast %get3A_561 : vector<1x128xf32> to vector<256x128xf32>
    %add3A_564 = arith.addf %add3A_562, %add3A_563 : vector<256x128xf32>
    %slice3A_565 = vector.extract_strided_slice %dot_general3A_5 {offsets = [0, 4224], sizes = [256, 128], strides = [1, 1]} : vector<256x8192xf32> to vector<256x128xf32>
    %mul3A_566 = arith.constant 2.000000e+00 : f32
    %mul3A_567 = vector.broadcast %mul3A_566 : f32 to vector<256x128xf32>
    %mul3A_568 = arith.mulf %mul3A_567, %slice3A_565 : vector<256x128xf32>
    %sub3A_569 = arith.subf %add3A_564, %mul3A_568 : vector<256x128xf32>
    %add3A_570 = arith.constant 4.224000e+03 : f32
    %add3A_571 = vector.broadcast %add3A_570 : f32 to vector<256x128xf32>
    %add3A_572 = arith.addf %convert_element_type3A, %add3A_571 : vector<256x128xf32>
    %lt3A_573 = arith.cmpf olt, %sub3A_569, %min3A_557 : vector<256x128xf32>
    %min3A_574 = arith.minimumf %min3A_557, %sub3A_569 : vector<256x128xf32>
    %select_n3A_575 = arith.select %lt3A_573, %add3A_572, %select_n3A_558 : vector<256x128xi1>, vector<256x128xf32>
    %get3A_576 = arith.constant 0 : index
    %get3A_577 = arith.constant 4352 : index
    %get3A_578 = vector.load %arg2[%get3A_576, %get3A_577] : memref<1x8192xf32, #tpu.memory_space<vmem>>, vector<1x128xf32>
    %add3A_579 = vector.broadcast %broadcast_in_dim3A : vector<256x1xf32> to vector<256x128xf32>
    %add3A_580 = vector.broadcast %get3A_578 : vector<1x128xf32> to vector<256x128xf32>
    %add3A_581 = arith.addf %add3A_579, %add3A_580 : vector<256x128xf32>
    %slice3A_582 = vector.extract_strided_slice %dot_general3A_5 {offsets = [0, 4352], sizes = [256, 128], strides = [1, 1]} : vector<256x8192xf32> to vector<256x128xf32>
    %mul3A_583 = arith.constant 2.000000e+00 : f32
    %mul3A_584 = vector.broadcast %mul3A_583 : f32 to vector<256x128xf32>
    %mul3A_585 = arith.mulf %mul3A_584, %slice3A_582 : vector<256x128xf32>
    %sub3A_586 = arith.subf %add3A_581, %mul3A_585 : vector<256x128xf32>
    %add3A_587 = arith.constant 4.352000e+03 : f32
    %add3A_588 = vector.broadcast %add3A_587 : f32 to vector<256x128xf32>
    %add3A_589 = arith.addf %convert_element_type3A, %add3A_588 : vector<256x128xf32>
    %lt3A_590 = arith.cmpf olt, %sub3A_586, %min3A_574 : vector<256x128xf32>
    %min3A_591 = arith.minimumf %min3A_574, %sub3A_586 : vector<256x128xf32>
    %select_n3A_592 = arith.select %lt3A_590, %add3A_589, %select_n3A_575 : vector<256x128xi1>, vector<256x128xf32>
    %get3A_593 = arith.constant 0 : index
    %get3A_594 = arith.constant 4480 : index
    %get3A_595 = vector.load %arg2[%get3A_593, %get3A_594] : memref<1x8192xf32, #tpu.memory_space<vmem>>, vector<1x128xf32>
    %add3A_596 = vector.broadcast %broadcast_in_dim3A : vector<256x1xf32> to vector<256x128xf32>
    %add3A_597 = vector.broadcast %get3A_595 : vector<1x128xf32> to vector<256x128xf32>
    %add3A_598 = arith.addf %add3A_596, %add3A_597 : vector<256x128xf32>
    %slice3A_599 = vector.extract_strided_slice %dot_general3A_5 {offsets = [0, 4480], sizes = [256, 128], strides = [1, 1]} : vector<256x8192xf32> to vector<256x128xf32>
    %mul3A_600 = arith.constant 2.000000e+00 : f32
    %mul3A_601 = vector.broadcast %mul3A_600 : f32 to vector<256x128xf32>
    %mul3A_602 = arith.mulf %mul3A_601, %slice3A_599 : vector<256x128xf32>
    %sub3A_603 = arith.subf %add3A_598, %mul3A_602 : vector<256x128xf32>
    %add3A_604 = arith.constant 4.480000e+03 : f32
    %add3A_605 = vector.broadcast %add3A_604 : f32 to vector<256x128xf32>
    %add3A_606 = arith.addf %convert_element_type3A, %add3A_605 : vector<256x128xf32>
    %lt3A_607 = arith.cmpf olt, %sub3A_603, %min3A_591 : vector<256x128xf32>
    %min3A_608 = arith.minimumf %min3A_591, %sub3A_603 : vector<256x128xf32>
    %select_n3A_609 = arith.select %lt3A_607, %add3A_606, %select_n3A_592 : vector<256x128xi1>, vector<256x128xf32>
    %get3A_610 = arith.constant 0 : index
    %get3A_611 = arith.constant 4608 : index
    %get3A_612 = vector.load %arg2[%get3A_610, %get3A_611] : memref<1x8192xf32, #tpu.memory_space<vmem>>, vector<1x128xf32>
    %add3A_613 = vector.broadcast %broadcast_in_dim3A : vector<256x1xf32> to vector<256x128xf32>
    %add3A_614 = vector.broadcast %get3A_612 : vector<1x128xf32> to vector<256x128xf32>
    %add3A_615 = arith.addf %add3A_613, %add3A_614 : vector<256x128xf32>
    %slice3A_616 = vector.extract_strided_slice %dot_general3A_5 {offsets = [0, 4608], sizes = [256, 128], strides = [1, 1]} : vector<256x8192xf32> to vector<256x128xf32>
    %mul3A_617 = arith.constant 2.000000e+00 : f32
    %mul3A_618 = vector.broadcast %mul3A_617 : f32 to vector<256x128xf32>
    %mul3A_619 = arith.mulf %mul3A_618, %slice3A_616 : vector<256x128xf32>
    %sub3A_620 = arith.subf %add3A_615, %mul3A_619 : vector<256x128xf32>
    %add3A_621 = arith.constant 4.608000e+03 : f32
    %add3A_622 = vector.broadcast %add3A_621 : f32 to vector<256x128xf32>
    %add3A_623 = arith.addf %convert_element_type3A, %add3A_622 : vector<256x128xf32>
    %lt3A_624 = arith.cmpf olt, %sub3A_620, %min3A_608 : vector<256x128xf32>
    %min3A_625 = arith.minimumf %min3A_608, %sub3A_620 : vector<256x128xf32>
    %select_n3A_626 = arith.select %lt3A_624, %add3A_623, %select_n3A_609 : vector<256x128xi1>, vector<256x128xf32>
    %get3A_627 = arith.constant 0 : index
    %get3A_628 = arith.constant 4736 : index
    %get3A_629 = vector.load %arg2[%get3A_627, %get3A_628] : memref<1x8192xf32, #tpu.memory_space<vmem>>, vector<1x128xf32>
    %add3A_630 = vector.broadcast %broadcast_in_dim3A : vector<256x1xf32> to vector<256x128xf32>
    %add3A_631 = vector.broadcast %get3A_629 : vector<1x128xf32> to vector<256x128xf32>
    %add3A_632 = arith.addf %add3A_630, %add3A_631 : vector<256x128xf32>
    %slice3A_633 = vector.extract_strided_slice %dot_general3A_5 {offsets = [0, 4736], sizes = [256, 128], strides = [1, 1]} : vector<256x8192xf32> to vector<256x128xf32>
    %mul3A_634 = arith.constant 2.000000e+00 : f32
    %mul3A_635 = vector.broadcast %mul3A_634 : f32 to vector<256x128xf32>
    %mul3A_636 = arith.mulf %mul3A_635, %slice3A_633 : vector<256x128xf32>
    %sub3A_637 = arith.subf %add3A_632, %mul3A_636 : vector<256x128xf32>
    %add3A_638 = arith.constant 4.736000e+03 : f32
    %add3A_639 = vector.broadcast %add3A_638 : f32 to vector<256x128xf32>
    %add3A_640 = arith.addf %convert_element_type3A, %add3A_639 : vector<256x128xf32>
    %lt3A_641 = arith.cmpf olt, %sub3A_637, %min3A_625 : vector<256x128xf32>
    %min3A_642 = arith.minimumf %min3A_625, %sub3A_637 : vector<256x128xf32>
    %select_n3A_643 = arith.select %lt3A_641, %add3A_640, %select_n3A_626 : vector<256x128xi1>, vector<256x128xf32>
    %get3A_644 = arith.constant 0 : index
    %get3A_645 = arith.constant 4864 : index
    %get3A_646 = vector.load %arg2[%get3A_644, %get3A_645] : memref<1x8192xf32, #tpu.memory_space<vmem>>, vector<1x128xf32>
    %add3A_647 = vector.broadcast %broadcast_in_dim3A : vector<256x1xf32> to vector<256x128xf32>
    %add3A_648 = vector.broadcast %get3A_646 : vector<1x128xf32> to vector<256x128xf32>
    %add3A_649 = arith.addf %add3A_647, %add3A_648 : vector<256x128xf32>
    %slice3A_650 = vector.extract_strided_slice %dot_general3A_5 {offsets = [0, 4864], sizes = [256, 128], strides = [1, 1]} : vector<256x8192xf32> to vector<256x128xf32>
    %mul3A_651 = arith.constant 2.000000e+00 : f32
    %mul3A_652 = vector.broadcast %mul3A_651 : f32 to vector<256x128xf32>
    %mul3A_653 = arith.mulf %mul3A_652, %slice3A_650 : vector<256x128xf32>
    %sub3A_654 = arith.subf %add3A_649, %mul3A_653 : vector<256x128xf32>
    %add3A_655 = arith.constant 4.864000e+03 : f32
    %add3A_656 = vector.broadcast %add3A_655 : f32 to vector<256x128xf32>
    %add3A_657 = arith.addf %convert_element_type3A, %add3A_656 : vector<256x128xf32>
    %lt3A_658 = arith.cmpf olt, %sub3A_654, %min3A_642 : vector<256x128xf32>
    %min3A_659 = arith.minimumf %min3A_642, %sub3A_654 : vector<256x128xf32>
    %select_n3A_660 = arith.select %lt3A_658, %add3A_657, %select_n3A_643 : vector<256x128xi1>, vector<256x128xf32>
    %get3A_661 = arith.constant 0 : index
    %get3A_662 = arith.constant 4992 : index
    %get3A_663 = vector.load %arg2[%get3A_661, %get3A_662] : memref<1x8192xf32, #tpu.memory_space<vmem>>, vector<1x128xf32>
    %add3A_664 = vector.broadcast %broadcast_in_dim3A : vector<256x1xf32> to vector<256x128xf32>
    %add3A_665 = vector.broadcast %get3A_663 : vector<1x128xf32> to vector<256x128xf32>
    %add3A_666 = arith.addf %add3A_664, %add3A_665 : vector<256x128xf32>
    %slice3A_667 = vector.extract_strided_slice %dot_general3A_5 {offsets = [0, 4992], sizes = [256, 128], strides = [1, 1]} : vector<256x8192xf32> to vector<256x128xf32>
    %mul3A_668 = arith.constant 2.000000e+00 : f32
    %mul3A_669 = vector.broadcast %mul3A_668 : f32 to vector<256x128xf32>
    %mul3A_670 = arith.mulf %mul3A_669, %slice3A_667 : vector<256x128xf32>
    %sub3A_671 = arith.subf %add3A_666, %mul3A_670 : vector<256x128xf32>
    %add3A_672 = arith.constant 4.992000e+03 : f32
    %add3A_673 = vector.broadcast %add3A_672 : f32 to vector<256x128xf32>
    %add3A_674 = arith.addf %convert_element_type3A, %add3A_673 : vector<256x128xf32>
    %lt3A_675 = arith.cmpf olt, %sub3A_671, %min3A_659 : vector<256x128xf32>
    %min3A_676 = arith.minimumf %min3A_659, %sub3A_671 : vector<256x128xf32>
    %select_n3A_677 = arith.select %lt3A_675, %add3A_674, %select_n3A_660 : vector<256x128xi1>, vector<256x128xf32>
    %get3A_678 = arith.constant 0 : index
    %get3A_679 = arith.constant 5120 : index
    %get3A_680 = vector.load %arg2[%get3A_678, %get3A_679] : memref<1x8192xf32, #tpu.memory_space<vmem>>, vector<1x128xf32>
    %add3A_681 = vector.broadcast %broadcast_in_dim3A : vector<256x1xf32> to vector<256x128xf32>
    %add3A_682 = vector.broadcast %get3A_680 : vector<1x128xf32> to vector<256x128xf32>
    %add3A_683 = arith.addf %add3A_681, %add3A_682 : vector<256x128xf32>
    %slice3A_684 = vector.extract_strided_slice %dot_general3A_5 {offsets = [0, 5120], sizes = [256, 128], strides = [1, 1]} : vector<256x8192xf32> to vector<256x128xf32>
    %mul3A_685 = arith.constant 2.000000e+00 : f32
    %mul3A_686 = vector.broadcast %mul3A_685 : f32 to vector<256x128xf32>
    %mul3A_687 = arith.mulf %mul3A_686, %slice3A_684 : vector<256x128xf32>
    %sub3A_688 = arith.subf %add3A_683, %mul3A_687 : vector<256x128xf32>
    %add3A_689 = arith.constant 5.120000e+03 : f32
    %add3A_690 = vector.broadcast %add3A_689 : f32 to vector<256x128xf32>
    %add3A_691 = arith.addf %convert_element_type3A, %add3A_690 : vector<256x128xf32>
    %lt3A_692 = arith.cmpf olt, %sub3A_688, %min3A_676 : vector<256x128xf32>
    %min3A_693 = arith.minimumf %min3A_676, %sub3A_688 : vector<256x128xf32>
    %select_n3A_694 = arith.select %lt3A_692, %add3A_691, %select_n3A_677 : vector<256x128xi1>, vector<256x128xf32>
    %get3A_695 = arith.constant 0 : index
    %get3A_696 = arith.constant 5248 : index
    %get3A_697 = vector.load %arg2[%get3A_695, %get3A_696] : memref<1x8192xf32, #tpu.memory_space<vmem>>, vector<1x128xf32>
    %add3A_698 = vector.broadcast %broadcast_in_dim3A : vector<256x1xf32> to vector<256x128xf32>
    %add3A_699 = vector.broadcast %get3A_697 : vector<1x128xf32> to vector<256x128xf32>
    %add3A_700 = arith.addf %add3A_698, %add3A_699 : vector<256x128xf32>
    %slice3A_701 = vector.extract_strided_slice %dot_general3A_5 {offsets = [0, 5248], sizes = [256, 128], strides = [1, 1]} : vector<256x8192xf32> to vector<256x128xf32>
    %mul3A_702 = arith.constant 2.000000e+00 : f32
    %mul3A_703 = vector.broadcast %mul3A_702 : f32 to vector<256x128xf32>
    %mul3A_704 = arith.mulf %mul3A_703, %slice3A_701 : vector<256x128xf32>
    %sub3A_705 = arith.subf %add3A_700, %mul3A_704 : vector<256x128xf32>
    %add3A_706 = arith.constant 5.248000e+03 : f32
    %add3A_707 = vector.broadcast %add3A_706 : f32 to vector<256x128xf32>
    %add3A_708 = arith.addf %convert_element_type3A, %add3A_707 : vector<256x128xf32>
    %lt3A_709 = arith.cmpf olt, %sub3A_705, %min3A_693 : vector<256x128xf32>
    %min3A_710 = arith.minimumf %min3A_693, %sub3A_705 : vector<256x128xf32>
    %select_n3A_711 = arith.select %lt3A_709, %add3A_708, %select_n3A_694 : vector<256x128xi1>, vector<256x128xf32>
    %get3A_712 = arith.constant 0 : index
    %get3A_713 = arith.constant 5376 : index
    %get3A_714 = vector.load %arg2[%get3A_712, %get3A_713] : memref<1x8192xf32, #tpu.memory_space<vmem>>, vector<1x128xf32>
    %add3A_715 = vector.broadcast %broadcast_in_dim3A : vector<256x1xf32> to vector<256x128xf32>
    %add3A_716 = vector.broadcast %get3A_714 : vector<1x128xf32> to vector<256x128xf32>
    %add3A_717 = arith.addf %add3A_715, %add3A_716 : vector<256x128xf32>
    %slice3A_718 = vector.extract_strided_slice %dot_general3A_5 {offsets = [0, 5376], sizes = [256, 128], strides = [1, 1]} : vector<256x8192xf32> to vector<256x128xf32>
    %mul3A_719 = arith.constant 2.000000e+00 : f32
    %mul3A_720 = vector.broadcast %mul3A_719 : f32 to vector<256x128xf32>
    %mul3A_721 = arith.mulf %mul3A_720, %slice3A_718 : vector<256x128xf32>
    %sub3A_722 = arith.subf %add3A_717, %mul3A_721 : vector<256x128xf32>
    %add3A_723 = arith.constant 5.376000e+03 : f32
    %add3A_724 = vector.broadcast %add3A_723 : f32 to vector<256x128xf32>
    %add3A_725 = arith.addf %convert_element_type3A, %add3A_724 : vector<256x128xf32>
    %lt3A_726 = arith.cmpf olt, %sub3A_722, %min3A_710 : vector<256x128xf32>
    %min3A_727 = arith.minimumf %min3A_710, %sub3A_722 : vector<256x128xf32>
    %select_n3A_728 = arith.select %lt3A_726, %add3A_725, %select_n3A_711 : vector<256x128xi1>, vector<256x128xf32>
    %get3A_729 = arith.constant 0 : index
    %get3A_730 = arith.constant 5504 : index
    %get3A_731 = vector.load %arg2[%get3A_729, %get3A_730] : memref<1x8192xf32, #tpu.memory_space<vmem>>, vector<1x128xf32>
    %add3A_732 = vector.broadcast %broadcast_in_dim3A : vector<256x1xf32> to vector<256x128xf32>
    %add3A_733 = vector.broadcast %get3A_731 : vector<1x128xf32> to vector<256x128xf32>
    %add3A_734 = arith.addf %add3A_732, %add3A_733 : vector<256x128xf32>
    %slice3A_735 = vector.extract_strided_slice %dot_general3A_5 {offsets = [0, 5504], sizes = [256, 128], strides = [1, 1]} : vector<256x8192xf32> to vector<256x128xf32>
    %mul3A_736 = arith.constant 2.000000e+00 : f32
    %mul3A_737 = vector.broadcast %mul3A_736 : f32 to vector<256x128xf32>
    %mul3A_738 = arith.mulf %mul3A_737, %slice3A_735 : vector<256x128xf32>
    %sub3A_739 = arith.subf %add3A_734, %mul3A_738 : vector<256x128xf32>
    %add3A_740 = arith.constant 5.504000e+03 : f32
    %add3A_741 = vector.broadcast %add3A_740 : f32 to vector<256x128xf32>
    %add3A_742 = arith.addf %convert_element_type3A, %add3A_741 : vector<256x128xf32>
    %lt3A_743 = arith.cmpf olt, %sub3A_739, %min3A_727 : vector<256x128xf32>
    %min3A_744 = arith.minimumf %min3A_727, %sub3A_739 : vector<256x128xf32>
    %select_n3A_745 = arith.select %lt3A_743, %add3A_742, %select_n3A_728 : vector<256x128xi1>, vector<256x128xf32>
    %get3A_746 = arith.constant 0 : index
    %get3A_747 = arith.constant 5632 : index
    %get3A_748 = vector.load %arg2[%get3A_746, %get3A_747] : memref<1x8192xf32, #tpu.memory_space<vmem>>, vector<1x128xf32>
    %add3A_749 = vector.broadcast %broadcast_in_dim3A : vector<256x1xf32> to vector<256x128xf32>
    %add3A_750 = vector.broadcast %get3A_748 : vector<1x128xf32> to vector<256x128xf32>
    %add3A_751 = arith.addf %add3A_749, %add3A_750 : vector<256x128xf32>
    %slice3A_752 = vector.extract_strided_slice %dot_general3A_5 {offsets = [0, 5632], sizes = [256, 128], strides = [1, 1]} : vector<256x8192xf32> to vector<256x128xf32>
    %mul3A_753 = arith.constant 2.000000e+00 : f32
    %mul3A_754 = vector.broadcast %mul3A_753 : f32 to vector<256x128xf32>
    %mul3A_755 = arith.mulf %mul3A_754, %slice3A_752 : vector<256x128xf32>
    %sub3A_756 = arith.subf %add3A_751, %mul3A_755 : vector<256x128xf32>
    %add3A_757 = arith.constant 5.632000e+03 : f32
    %add3A_758 = vector.broadcast %add3A_757 : f32 to vector<256x128xf32>
    %add3A_759 = arith.addf %convert_element_type3A, %add3A_758 : vector<256x128xf32>
    %lt3A_760 = arith.cmpf olt, %sub3A_756, %min3A_744 : vector<256x128xf32>
    %min3A_761 = arith.minimumf %min3A_744, %sub3A_756 : vector<256x128xf32>
    %select_n3A_762 = arith.select %lt3A_760, %add3A_759, %select_n3A_745 : vector<256x128xi1>, vector<256x128xf32>
    %get3A_763 = arith.constant 0 : index
    %get3A_764 = arith.constant 5760 : index
    %get3A_765 = vector.load %arg2[%get3A_763, %get3A_764] : memref<1x8192xf32, #tpu.memory_space<vmem>>, vector<1x128xf32>
    %add3A_766 = vector.broadcast %broadcast_in_dim3A : vector<256x1xf32> to vector<256x128xf32>
    %add3A_767 = vector.broadcast %get3A_765 : vector<1x128xf32> to vector<256x128xf32>
    %add3A_768 = arith.addf %add3A_766, %add3A_767 : vector<256x128xf32>
    %slice3A_769 = vector.extract_strided_slice %dot_general3A_5 {offsets = [0, 5760], sizes = [256, 128], strides = [1, 1]} : vector<256x8192xf32> to vector<256x128xf32>
    %mul3A_770 = arith.constant 2.000000e+00 : f32
    %mul3A_771 = vector.broadcast %mul3A_770 : f32 to vector<256x128xf32>
    %mul3A_772 = arith.mulf %mul3A_771, %slice3A_769 : vector<256x128xf32>
    %sub3A_773 = arith.subf %add3A_768, %mul3A_772 : vector<256x128xf32>
    %add3A_774 = arith.constant 5.760000e+03 : f32
    %add3A_775 = vector.broadcast %add3A_774 : f32 to vector<256x128xf32>
    %add3A_776 = arith.addf %convert_element_type3A, %add3A_775 : vector<256x128xf32>
    %lt3A_777 = arith.cmpf olt, %sub3A_773, %min3A_761 : vector<256x128xf32>
    %min3A_778 = arith.minimumf %min3A_761, %sub3A_773 : vector<256x128xf32>
    %select_n3A_779 = arith.select %lt3A_777, %add3A_776, %select_n3A_762 : vector<256x128xi1>, vector<256x128xf32>
    %get3A_780 = arith.constant 0 : index
    %get3A_781 = arith.constant 5888 : index
    %get3A_782 = vector.load %arg2[%get3A_780, %get3A_781] : memref<1x8192xf32, #tpu.memory_space<vmem>>, vector<1x128xf32>
    %add3A_783 = vector.broadcast %broadcast_in_dim3A : vector<256x1xf32> to vector<256x128xf32>
    %add3A_784 = vector.broadcast %get3A_782 : vector<1x128xf32> to vector<256x128xf32>
    %add3A_785 = arith.addf %add3A_783, %add3A_784 : vector<256x128xf32>
    %slice3A_786 = vector.extract_strided_slice %dot_general3A_5 {offsets = [0, 5888], sizes = [256, 128], strides = [1, 1]} : vector<256x8192xf32> to vector<256x128xf32>
    %mul3A_787 = arith.constant 2.000000e+00 : f32
    %mul3A_788 = vector.broadcast %mul3A_787 : f32 to vector<256x128xf32>
    %mul3A_789 = arith.mulf %mul3A_788, %slice3A_786 : vector<256x128xf32>
    %sub3A_790 = arith.subf %add3A_785, %mul3A_789 : vector<256x128xf32>
    %add3A_791 = arith.constant 5.888000e+03 : f32
    %add3A_792 = vector.broadcast %add3A_791 : f32 to vector<256x128xf32>
    %add3A_793 = arith.addf %convert_element_type3A, %add3A_792 : vector<256x128xf32>
    %lt3A_794 = arith.cmpf olt, %sub3A_790, %min3A_778 : vector<256x128xf32>
    %min3A_795 = arith.minimumf %min3A_778, %sub3A_790 : vector<256x128xf32>
    %select_n3A_796 = arith.select %lt3A_794, %add3A_793, %select_n3A_779 : vector<256x128xi1>, vector<256x128xf32>
    %get3A_797 = arith.constant 0 : index
    %get3A_798 = arith.constant 6016 : index
    %get3A_799 = vector.load %arg2[%get3A_797, %get3A_798] : memref<1x8192xf32, #tpu.memory_space<vmem>>, vector<1x128xf32>
    %add3A_800 = vector.broadcast %broadcast_in_dim3A : vector<256x1xf32> to vector<256x128xf32>
    %add3A_801 = vector.broadcast %get3A_799 : vector<1x128xf32> to vector<256x128xf32>
    %add3A_802 = arith.addf %add3A_800, %add3A_801 : vector<256x128xf32>
    %slice3A_803 = vector.extract_strided_slice %dot_general3A_5 {offsets = [0, 6016], sizes = [256, 128], strides = [1, 1]} : vector<256x8192xf32> to vector<256x128xf32>
    %mul3A_804 = arith.constant 2.000000e+00 : f32
    %mul3A_805 = vector.broadcast %mul3A_804 : f32 to vector<256x128xf32>
    %mul3A_806 = arith.mulf %mul3A_805, %slice3A_803 : vector<256x128xf32>
    %sub3A_807 = arith.subf %add3A_802, %mul3A_806 : vector<256x128xf32>
    %add3A_808 = arith.constant 6.016000e+03 : f32
    %add3A_809 = vector.broadcast %add3A_808 : f32 to vector<256x128xf32>
    %add3A_810 = arith.addf %convert_element_type3A, %add3A_809 : vector<256x128xf32>
    %lt3A_811 = arith.cmpf olt, %sub3A_807, %min3A_795 : vector<256x128xf32>
    %min3A_812 = arith.minimumf %min3A_795, %sub3A_807 : vector<256x128xf32>
    %select_n3A_813 = arith.select %lt3A_811, %add3A_810, %select_n3A_796 : vector<256x128xi1>, vector<256x128xf32>
    %get3A_814 = arith.constant 0 : index
    %get3A_815 = arith.constant 6144 : index
    %get3A_816 = vector.load %arg2[%get3A_814, %get3A_815] : memref<1x8192xf32, #tpu.memory_space<vmem>>, vector<1x128xf32>
    %add3A_817 = vector.broadcast %broadcast_in_dim3A : vector<256x1xf32> to vector<256x128xf32>
    %add3A_818 = vector.broadcast %get3A_816 : vector<1x128xf32> to vector<256x128xf32>
    %add3A_819 = arith.addf %add3A_817, %add3A_818 : vector<256x128xf32>
    %slice3A_820 = vector.extract_strided_slice %dot_general3A_5 {offsets = [0, 6144], sizes = [256, 128], strides = [1, 1]} : vector<256x8192xf32> to vector<256x128xf32>
    %mul3A_821 = arith.constant 2.000000e+00 : f32
    %mul3A_822 = vector.broadcast %mul3A_821 : f32 to vector<256x128xf32>
    %mul3A_823 = arith.mulf %mul3A_822, %slice3A_820 : vector<256x128xf32>
    %sub3A_824 = arith.subf %add3A_819, %mul3A_823 : vector<256x128xf32>
    %add3A_825 = arith.constant 6.144000e+03 : f32
    %add3A_826 = vector.broadcast %add3A_825 : f32 to vector<256x128xf32>
    %add3A_827 = arith.addf %convert_element_type3A, %add3A_826 : vector<256x128xf32>
    %lt3A_828 = arith.cmpf olt, %sub3A_824, %min3A_812 : vector<256x128xf32>
    %min3A_829 = arith.minimumf %min3A_812, %sub3A_824 : vector<256x128xf32>
    %select_n3A_830 = arith.select %lt3A_828, %add3A_827, %select_n3A_813 : vector<256x128xi1>, vector<256x128xf32>
    %get3A_831 = arith.constant 0 : index
    %get3A_832 = arith.constant 6272 : index
    %get3A_833 = vector.load %arg2[%get3A_831, %get3A_832] : memref<1x8192xf32, #tpu.memory_space<vmem>>, vector<1x128xf32>
    %add3A_834 = vector.broadcast %broadcast_in_dim3A : vector<256x1xf32> to vector<256x128xf32>
    %add3A_835 = vector.broadcast %get3A_833 : vector<1x128xf32> to vector<256x128xf32>
    %add3A_836 = arith.addf %add3A_834, %add3A_835 : vector<256x128xf32>
    %slice3A_837 = vector.extract_strided_slice %dot_general3A_5 {offsets = [0, 6272], sizes = [256, 128], strides = [1, 1]} : vector<256x8192xf32> to vector<256x128xf32>
    %mul3A_838 = arith.constant 2.000000e+00 : f32
    %mul3A_839 = vector.broadcast %mul3A_838 : f32 to vector<256x128xf32>
    %mul3A_840 = arith.mulf %mul3A_839, %slice3A_837 : vector<256x128xf32>
    %sub3A_841 = arith.subf %add3A_836, %mul3A_840 : vector<256x128xf32>
    %add3A_842 = arith.constant 6.272000e+03 : f32
    %add3A_843 = vector.broadcast %add3A_842 : f32 to vector<256x128xf32>
    %add3A_844 = arith.addf %convert_element_type3A, %add3A_843 : vector<256x128xf32>
    %lt3A_845 = arith.cmpf olt, %sub3A_841, %min3A_829 : vector<256x128xf32>
    %min3A_846 = arith.minimumf %min3A_829, %sub3A_841 : vector<256x128xf32>
    %select_n3A_847 = arith.select %lt3A_845, %add3A_844, %select_n3A_830 : vector<256x128xi1>, vector<256x128xf32>
    %get3A_848 = arith.constant 0 : index
    %get3A_849 = arith.constant 6400 : index
    %get3A_850 = vector.load %arg2[%get3A_848, %get3A_849] : memref<1x8192xf32, #tpu.memory_space<vmem>>, vector<1x128xf32>
    %add3A_851 = vector.broadcast %broadcast_in_dim3A : vector<256x1xf32> to vector<256x128xf32>
    %add3A_852 = vector.broadcast %get3A_850 : vector<1x128xf32> to vector<256x128xf32>
    %add3A_853 = arith.addf %add3A_851, %add3A_852 : vector<256x128xf32>
    %slice3A_854 = vector.extract_strided_slice %dot_general3A_5 {offsets = [0, 6400], sizes = [256, 128], strides = [1, 1]} : vector<256x8192xf32> to vector<256x128xf32>
    %mul3A_855 = arith.constant 2.000000e+00 : f32
    %mul3A_856 = vector.broadcast %mul3A_855 : f32 to vector<256x128xf32>
    %mul3A_857 = arith.mulf %mul3A_856, %slice3A_854 : vector<256x128xf32>
    %sub3A_858 = arith.subf %add3A_853, %mul3A_857 : vector<256x128xf32>
    %add3A_859 = arith.constant 6.400000e+03 : f32
    %add3A_860 = vector.broadcast %add3A_859 : f32 to vector<256x128xf32>
    %add3A_861 = arith.addf %convert_element_type3A, %add3A_860 : vector<256x128xf32>
    %lt3A_862 = arith.cmpf olt, %sub3A_858, %min3A_846 : vector<256x128xf32>
    %min3A_863 = arith.minimumf %min3A_846, %sub3A_858 : vector<256x128xf32>
    %select_n3A_864 = arith.select %lt3A_862, %add3A_861, %select_n3A_847 : vector<256x128xi1>, vector<256x128xf32>
    %get3A_865 = arith.constant 0 : index
    %get3A_866 = arith.constant 6528 : index
    %get3A_867 = vector.load %arg2[%get3A_865, %get3A_866] : memref<1x8192xf32, #tpu.memory_space<vmem>>, vector<1x128xf32>
    %add3A_868 = vector.broadcast %broadcast_in_dim3A : vector<256x1xf32> to vector<256x128xf32>
    %add3A_869 = vector.broadcast %get3A_867 : vector<1x128xf32> to vector<256x128xf32>
    %add3A_870 = arith.addf %add3A_868, %add3A_869 : vector<256x128xf32>
    %slice3A_871 = vector.extract_strided_slice %dot_general3A_5 {offsets = [0, 6528], sizes = [256, 128], strides = [1, 1]} : vector<256x8192xf32> to vector<256x128xf32>
    %mul3A_872 = arith.constant 2.000000e+00 : f32
    %mul3A_873 = vector.broadcast %mul3A_872 : f32 to vector<256x128xf32>
    %mul3A_874 = arith.mulf %mul3A_873, %slice3A_871 : vector<256x128xf32>
    %sub3A_875 = arith.subf %add3A_870, %mul3A_874 : vector<256x128xf32>
    %add3A_876 = arith.constant 6.528000e+03 : f32
    %add3A_877 = vector.broadcast %add3A_876 : f32 to vector<256x128xf32>
    %add3A_878 = arith.addf %convert_element_type3A, %add3A_877 : vector<256x128xf32>
    %lt3A_879 = arith.cmpf olt, %sub3A_875, %min3A_863 : vector<256x128xf32>
    %min3A_880 = arith.minimumf %min3A_863, %sub3A_875 : vector<256x128xf32>
    %select_n3A_881 = arith.select %lt3A_879, %add3A_878, %select_n3A_864 : vector<256x128xi1>, vector<256x128xf32>
    %get3A_882 = arith.constant 0 : index
    %get3A_883 = arith.constant 6656 : index
    %get3A_884 = vector.load %arg2[%get3A_882, %get3A_883] : memref<1x8192xf32, #tpu.memory_space<vmem>>, vector<1x128xf32>
    %add3A_885 = vector.broadcast %broadcast_in_dim3A : vector<256x1xf32> to vector<256x128xf32>
    %add3A_886 = vector.broadcast %get3A_884 : vector<1x128xf32> to vector<256x128xf32>
    %add3A_887 = arith.addf %add3A_885, %add3A_886 : vector<256x128xf32>
    %slice3A_888 = vector.extract_strided_slice %dot_general3A_5 {offsets = [0, 6656], sizes = [256, 128], strides = [1, 1]} : vector<256x8192xf32> to vector<256x128xf32>
    %mul3A_889 = arith.constant 2.000000e+00 : f32
    %mul3A_890 = vector.broadcast %mul3A_889 : f32 to vector<256x128xf32>
    %mul3A_891 = arith.mulf %mul3A_890, %slice3A_888 : vector<256x128xf32>
    %sub3A_892 = arith.subf %add3A_887, %mul3A_891 : vector<256x128xf32>
    %add3A_893 = arith.constant 6.656000e+03 : f32
    %add3A_894 = vector.broadcast %add3A_893 : f32 to vector<256x128xf32>
    %add3A_895 = arith.addf %convert_element_type3A, %add3A_894 : vector<256x128xf32>
    %lt3A_896 = arith.cmpf olt, %sub3A_892, %min3A_880 : vector<256x128xf32>
    %min3A_897 = arith.minimumf %min3A_880, %sub3A_892 : vector<256x128xf32>
    %select_n3A_898 = arith.select %lt3A_896, %add3A_895, %select_n3A_881 : vector<256x128xi1>, vector<256x128xf32>
    %get3A_899 = arith.constant 0 : index
    %get3A_900 = arith.constant 6784 : index
    %get3A_901 = vector.load %arg2[%get3A_899, %get3A_900] : memref<1x8192xf32, #tpu.memory_space<vmem>>, vector<1x128xf32>
    %add3A_902 = vector.broadcast %broadcast_in_dim3A : vector<256x1xf32> to vector<256x128xf32>
    %add3A_903 = vector.broadcast %get3A_901 : vector<1x128xf32> to vector<256x128xf32>
    %add3A_904 = arith.addf %add3A_902, %add3A_903 : vector<256x128xf32>
    %slice3A_905 = vector.extract_strided_slice %dot_general3A_5 {offsets = [0, 6784], sizes = [256, 128], strides = [1, 1]} : vector<256x8192xf32> to vector<256x128xf32>
    %mul3A_906 = arith.constant 2.000000e+00 : f32
    %mul3A_907 = vector.broadcast %mul3A_906 : f32 to vector<256x128xf32>
    %mul3A_908 = arith.mulf %mul3A_907, %slice3A_905 : vector<256x128xf32>
    %sub3A_909 = arith.subf %add3A_904, %mul3A_908 : vector<256x128xf32>
    %add3A_910 = arith.constant 6.784000e+03 : f32
    %add3A_911 = vector.broadcast %add3A_910 : f32 to vector<256x128xf32>
    %add3A_912 = arith.addf %convert_element_type3A, %add3A_911 : vector<256x128xf32>
    %lt3A_913 = arith.cmpf olt, %sub3A_909, %min3A_897 : vector<256x128xf32>
    %min3A_914 = arith.minimumf %min3A_897, %sub3A_909 : vector<256x128xf32>
    %select_n3A_915 = arith.select %lt3A_913, %add3A_912, %select_n3A_898 : vector<256x128xi1>, vector<256x128xf32>
    %get3A_916 = arith.constant 0 : index
    %get3A_917 = arith.constant 6912 : index
    %get3A_918 = vector.load %arg2[%get3A_916, %get3A_917] : memref<1x8192xf32, #tpu.memory_space<vmem>>, vector<1x128xf32>
    %add3A_919 = vector.broadcast %broadcast_in_dim3A : vector<256x1xf32> to vector<256x128xf32>
    %add3A_920 = vector.broadcast %get3A_918 : vector<1x128xf32> to vector<256x128xf32>
    %add3A_921 = arith.addf %add3A_919, %add3A_920 : vector<256x128xf32>
    %slice3A_922 = vector.extract_strided_slice %dot_general3A_5 {offsets = [0, 6912], sizes = [256, 128], strides = [1, 1]} : vector<256x8192xf32> to vector<256x128xf32>
    %mul3A_923 = arith.constant 2.000000e+00 : f32
    %mul3A_924 = vector.broadcast %mul3A_923 : f32 to vector<256x128xf32>
    %mul3A_925 = arith.mulf %mul3A_924, %slice3A_922 : vector<256x128xf32>
    %sub3A_926 = arith.subf %add3A_921, %mul3A_925 : vector<256x128xf32>
    %add3A_927 = arith.constant 6.912000e+03 : f32
    %add3A_928 = vector.broadcast %add3A_927 : f32 to vector<256x128xf32>
    %add3A_929 = arith.addf %convert_element_type3A, %add3A_928 : vector<256x128xf32>
    %lt3A_930 = arith.cmpf olt, %sub3A_926, %min3A_914 : vector<256x128xf32>
    %min3A_931 = arith.minimumf %min3A_914, %sub3A_926 : vector<256x128xf32>
    %select_n3A_932 = arith.select %lt3A_930, %add3A_929, %select_n3A_915 : vector<256x128xi1>, vector<256x128xf32>
    %get3A_933 = arith.constant 0 : index
    %get3A_934 = arith.constant 7040 : index
    %get3A_935 = vector.load %arg2[%get3A_933, %get3A_934] : memref<1x8192xf32, #tpu.memory_space<vmem>>, vector<1x128xf32>
    %add3A_936 = vector.broadcast %broadcast_in_dim3A : vector<256x1xf32> to vector<256x128xf32>
    %add3A_937 = vector.broadcast %get3A_935 : vector<1x128xf32> to vector<256x128xf32>
    %add3A_938 = arith.addf %add3A_936, %add3A_937 : vector<256x128xf32>
    %slice3A_939 = vector.extract_strided_slice %dot_general3A_5 {offsets = [0, 7040], sizes = [256, 128], strides = [1, 1]} : vector<256x8192xf32> to vector<256x128xf32>
    %mul3A_940 = arith.constant 2.000000e+00 : f32
    %mul3A_941 = vector.broadcast %mul3A_940 : f32 to vector<256x128xf32>
    %mul3A_942 = arith.mulf %mul3A_941, %slice3A_939 : vector<256x128xf32>
    %sub3A_943 = arith.subf %add3A_938, %mul3A_942 : vector<256x128xf32>
    %add3A_944 = arith.constant 7.040000e+03 : f32
    %add3A_945 = vector.broadcast %add3A_944 : f32 to vector<256x128xf32>
    %add3A_946 = arith.addf %convert_element_type3A, %add3A_945 : vector<256x128xf32>
    %lt3A_947 = arith.cmpf olt, %sub3A_943, %min3A_931 : vector<256x128xf32>
    %min3A_948 = arith.minimumf %min3A_931, %sub3A_943 : vector<256x128xf32>
    %select_n3A_949 = arith.select %lt3A_947, %add3A_946, %select_n3A_932 : vector<256x128xi1>, vector<256x128xf32>
    %get3A_950 = arith.constant 0 : index
    %get3A_951 = arith.constant 7168 : index
    %get3A_952 = vector.load %arg2[%get3A_950, %get3A_951] : memref<1x8192xf32, #tpu.memory_space<vmem>>, vector<1x128xf32>
    %add3A_953 = vector.broadcast %broadcast_in_dim3A : vector<256x1xf32> to vector<256x128xf32>
    %add3A_954 = vector.broadcast %get3A_952 : vector<1x128xf32> to vector<256x128xf32>
    %add3A_955 = arith.addf %add3A_953, %add3A_954 : vector<256x128xf32>
    %slice3A_956 = vector.extract_strided_slice %dot_general3A_5 {offsets = [0, 7168], sizes = [256, 128], strides = [1, 1]} : vector<256x8192xf32> to vector<256x128xf32>
    %mul3A_957 = arith.constant 2.000000e+00 : f32
    %mul3A_958 = vector.broadcast %mul3A_957 : f32 to vector<256x128xf32>
    %mul3A_959 = arith.mulf %mul3A_958, %slice3A_956 : vector<256x128xf32>
    %sub3A_960 = arith.subf %add3A_955, %mul3A_959 : vector<256x128xf32>
    %add3A_961 = arith.constant 7.168000e+03 : f32
    %add3A_962 = vector.broadcast %add3A_961 : f32 to vector<256x128xf32>
    %add3A_963 = arith.addf %convert_element_type3A, %add3A_962 : vector<256x128xf32>
    %lt3A_964 = arith.cmpf olt, %sub3A_960, %min3A_948 : vector<256x128xf32>
    %min3A_965 = arith.minimumf %min3A_948, %sub3A_960 : vector<256x128xf32>
    %select_n3A_966 = arith.select %lt3A_964, %add3A_963, %select_n3A_949 : vector<256x128xi1>, vector<256x128xf32>
    %get3A_967 = arith.constant 0 : index
    %get3A_968 = arith.constant 7296 : index
    %get3A_969 = vector.load %arg2[%get3A_967, %get3A_968] : memref<1x8192xf32, #tpu.memory_space<vmem>>, vector<1x128xf32>
    %add3A_970 = vector.broadcast %broadcast_in_dim3A : vector<256x1xf32> to vector<256x128xf32>
    %add3A_971 = vector.broadcast %get3A_969 : vector<1x128xf32> to vector<256x128xf32>
    %add3A_972 = arith.addf %add3A_970, %add3A_971 : vector<256x128xf32>
    %slice3A_973 = vector.extract_strided_slice %dot_general3A_5 {offsets = [0, 7296], sizes = [256, 128], strides = [1, 1]} : vector<256x8192xf32> to vector<256x128xf32>
    %mul3A_974 = arith.constant 2.000000e+00 : f32
    %mul3A_975 = vector.broadcast %mul3A_974 : f32 to vector<256x128xf32>
    %mul3A_976 = arith.mulf %mul3A_975, %slice3A_973 : vector<256x128xf32>
    %sub3A_977 = arith.subf %add3A_972, %mul3A_976 : vector<256x128xf32>
    %add3A_978 = arith.constant 7.296000e+03 : f32
    %add3A_979 = vector.broadcast %add3A_978 : f32 to vector<256x128xf32>
    %add3A_980 = arith.addf %convert_element_type3A, %add3A_979 : vector<256x128xf32>
    %lt3A_981 = arith.cmpf olt, %sub3A_977, %min3A_965 : vector<256x128xf32>
    %min3A_982 = arith.minimumf %min3A_965, %sub3A_977 : vector<256x128xf32>
    %select_n3A_983 = arith.select %lt3A_981, %add3A_980, %select_n3A_966 : vector<256x128xi1>, vector<256x128xf32>
    %get3A_984 = arith.constant 0 : index
    %get3A_985 = arith.constant 7424 : index
    %get3A_986 = vector.load %arg2[%get3A_984, %get3A_985] : memref<1x8192xf32, #tpu.memory_space<vmem>>, vector<1x128xf32>
    %add3A_987 = vector.broadcast %broadcast_in_dim3A : vector<256x1xf32> to vector<256x128xf32>
    %add3A_988 = vector.broadcast %get3A_986 : vector<1x128xf32> to vector<256x128xf32>
    %add3A_989 = arith.addf %add3A_987, %add3A_988 : vector<256x128xf32>
    %slice3A_990 = vector.extract_strided_slice %dot_general3A_5 {offsets = [0, 7424], sizes = [256, 128], strides = [1, 1]} : vector<256x8192xf32> to vector<256x128xf32>
    %mul3A_991 = arith.constant 2.000000e+00 : f32
    %mul3A_992 = vector.broadcast %mul3A_991 : f32 to vector<256x128xf32>
    %mul3A_993 = arith.mulf %mul3A_992, %slice3A_990 : vector<256x128xf32>
    %sub3A_994 = arith.subf %add3A_989, %mul3A_993 : vector<256x128xf32>
    %add3A_995 = arith.constant 7.424000e+03 : f32
    %add3A_996 = vector.broadcast %add3A_995 : f32 to vector<256x128xf32>
    %add3A_997 = arith.addf %convert_element_type3A, %add3A_996 : vector<256x128xf32>
    %lt3A_998 = arith.cmpf olt, %sub3A_994, %min3A_982 : vector<256x128xf32>
    %min3A_999 = arith.minimumf %min3A_982, %sub3A_994 : vector<256x128xf32>
    %select_n3A_1000 = arith.select %lt3A_998, %add3A_997, %select_n3A_983 : vector<256x128xi1>, vector<256x128xf32>
    %get3A_1001 = arith.constant 0 : index
    %get3A_1002 = arith.constant 7552 : index
    %get3A_1003 = vector.load %arg2[%get3A_1001, %get3A_1002] : memref<1x8192xf32, #tpu.memory_space<vmem>>, vector<1x128xf32>
    %add3A_1004 = vector.broadcast %broadcast_in_dim3A : vector<256x1xf32> to vector<256x128xf32>
    %add3A_1005 = vector.broadcast %get3A_1003 : vector<1x128xf32> to vector<256x128xf32>
    %add3A_1006 = arith.addf %add3A_1004, %add3A_1005 : vector<256x128xf32>
    %slice3A_1007 = vector.extract_strided_slice %dot_general3A_5 {offsets = [0, 7552], sizes = [256, 128], strides = [1, 1]} : vector<256x8192xf32> to vector<256x128xf32>
    %mul3A_1008 = arith.constant 2.000000e+00 : f32
    %mul3A_1009 = vector.broadcast %mul3A_1008 : f32 to vector<256x128xf32>
    %mul3A_1010 = arith.mulf %mul3A_1009, %slice3A_1007 : vector<256x128xf32>
    %sub3A_1011 = arith.subf %add3A_1006, %mul3A_1010 : vector<256x128xf32>
    %add3A_1012 = arith.constant 7.552000e+03 : f32
    %add3A_1013 = vector.broadcast %add3A_1012 : f32 to vector<256x128xf32>
    %add3A_1014 = arith.addf %convert_element_type3A, %add3A_1013 : vector<256x128xf32>
    %lt3A_1015 = arith.cmpf olt, %sub3A_1011, %min3A_999 : vector<256x128xf32>
    %min3A_1016 = arith.minimumf %min3A_999, %sub3A_1011 : vector<256x128xf32>
    %select_n3A_1017 = arith.select %lt3A_1015, %add3A_1014, %select_n3A_1000 : vector<256x128xi1>, vector<256x128xf32>
    %get3A_1018 = arith.constant 0 : index
    %get3A_1019 = arith.constant 7680 : index
    %get3A_1020 = vector.load %arg2[%get3A_1018, %get3A_1019] : memref<1x8192xf32, #tpu.memory_space<vmem>>, vector<1x128xf32>
    %add3A_1021 = vector.broadcast %broadcast_in_dim3A : vector<256x1xf32> to vector<256x128xf32>
    %add3A_1022 = vector.broadcast %get3A_1020 : vector<1x128xf32> to vector<256x128xf32>
    %add3A_1023 = arith.addf %add3A_1021, %add3A_1022 : vector<256x128xf32>
    %slice3A_1024 = vector.extract_strided_slice %dot_general3A_5 {offsets = [0, 7680], sizes = [256, 128], strides = [1, 1]} : vector<256x8192xf32> to vector<256x128xf32>
    %mul3A_1025 = arith.constant 2.000000e+00 : f32
    %mul3A_1026 = vector.broadcast %mul3A_1025 : f32 to vector<256x128xf32>
    %mul3A_1027 = arith.mulf %mul3A_1026, %slice3A_1024 : vector<256x128xf32>
    %sub3A_1028 = arith.subf %add3A_1023, %mul3A_1027 : vector<256x128xf32>
    %add3A_1029 = arith.constant 7.680000e+03 : f32
    %add3A_1030 = vector.broadcast %add3A_1029 : f32 to vector<256x128xf32>
    %add3A_1031 = arith.addf %convert_element_type3A, %add3A_1030 : vector<256x128xf32>
    %lt3A_1032 = arith.cmpf olt, %sub3A_1028, %min3A_1016 : vector<256x128xf32>
    %min3A_1033 = arith.minimumf %min3A_1016, %sub3A_1028 : vector<256x128xf32>
    %select_n3A_1034 = arith.select %lt3A_1032, %add3A_1031, %select_n3A_1017 : vector<256x128xi1>, vector<256x128xf32>
    %get3A_1035 = arith.constant 0 : index
    %get3A_1036 = arith.constant 7808 : index
    %get3A_1037 = vector.load %arg2[%get3A_1035, %get3A_1036] : memref<1x8192xf32, #tpu.memory_space<vmem>>, vector<1x128xf32>
    %add3A_1038 = vector.broadcast %broadcast_in_dim3A : vector<256x1xf32> to vector<256x128xf32>
    %add3A_1039 = vector.broadcast %get3A_1037 : vector<1x128xf32> to vector<256x128xf32>
    %add3A_1040 = arith.addf %add3A_1038, %add3A_1039 : vector<256x128xf32>
    %slice3A_1041 = vector.extract_strided_slice %dot_general3A_5 {offsets = [0, 7808], sizes = [256, 128], strides = [1, 1]} : vector<256x8192xf32> to vector<256x128xf32>
    %mul3A_1042 = arith.constant 2.000000e+00 : f32
    %mul3A_1043 = vector.broadcast %mul3A_1042 : f32 to vector<256x128xf32>
    %mul3A_1044 = arith.mulf %mul3A_1043, %slice3A_1041 : vector<256x128xf32>
    %sub3A_1045 = arith.subf %add3A_1040, %mul3A_1044 : vector<256x128xf32>
    %add3A_1046 = arith.constant 7.808000e+03 : f32
    %add3A_1047 = vector.broadcast %add3A_1046 : f32 to vector<256x128xf32>
    %add3A_1048 = arith.addf %convert_element_type3A, %add3A_1047 : vector<256x128xf32>
    %lt3A_1049 = arith.cmpf olt, %sub3A_1045, %min3A_1033 : vector<256x128xf32>
    %min3A_1050 = arith.minimumf %min3A_1033, %sub3A_1045 : vector<256x128xf32>
    %select_n3A_1051 = arith.select %lt3A_1049, %add3A_1048, %select_n3A_1034 : vector<256x128xi1>, vector<256x128xf32>
    %get3A_1052 = arith.constant 0 : index
    %get3A_1053 = arith.constant 7936 : index
    %get3A_1054 = vector.load %arg2[%get3A_1052, %get3A_1053] : memref<1x8192xf32, #tpu.memory_space<vmem>>, vector<1x128xf32>
    %add3A_1055 = vector.broadcast %broadcast_in_dim3A : vector<256x1xf32> to vector<256x128xf32>
    %add3A_1056 = vector.broadcast %get3A_1054 : vector<1x128xf32> to vector<256x128xf32>
    %add3A_1057 = arith.addf %add3A_1055, %add3A_1056 : vector<256x128xf32>
    %slice3A_1058 = vector.extract_strided_slice %dot_general3A_5 {offsets = [0, 7936], sizes = [256, 128], strides = [1, 1]} : vector<256x8192xf32> to vector<256x128xf32>
    %mul3A_1059 = arith.constant 2.000000e+00 : f32
    %mul3A_1060 = vector.broadcast %mul3A_1059 : f32 to vector<256x128xf32>
    %mul3A_1061 = arith.mulf %mul3A_1060, %slice3A_1058 : vector<256x128xf32>
    %sub3A_1062 = arith.subf %add3A_1057, %mul3A_1061 : vector<256x128xf32>
    %add3A_1063 = arith.constant 7.936000e+03 : f32
    %add3A_1064 = vector.broadcast %add3A_1063 : f32 to vector<256x128xf32>
    %add3A_1065 = arith.addf %convert_element_type3A, %add3A_1064 : vector<256x128xf32>
    %lt3A_1066 = arith.cmpf olt, %sub3A_1062, %min3A_1050 : vector<256x128xf32>
    %min3A_1067 = arith.minimumf %min3A_1050, %sub3A_1062 : vector<256x128xf32>
    %select_n3A_1068 = arith.select %lt3A_1066, %add3A_1065, %select_n3A_1051 : vector<256x128xi1>, vector<256x128xf32>
    %get3A_1069 = arith.constant 0 : index
    %get3A_1070 = arith.constant 8064 : index
    %get3A_1071 = vector.load %arg2[%get3A_1069, %get3A_1070] : memref<1x8192xf32, #tpu.memory_space<vmem>>, vector<1x128xf32>
    %add3A_1072 = vector.broadcast %broadcast_in_dim3A : vector<256x1xf32> to vector<256x128xf32>
    %add3A_1073 = vector.broadcast %get3A_1071 : vector<1x128xf32> to vector<256x128xf32>
    %add3A_1074 = arith.addf %add3A_1072, %add3A_1073 : vector<256x128xf32>
    %slice3A_1075 = vector.extract_strided_slice %dot_general3A_5 {offsets = [0, 8064], sizes = [256, 128], strides = [1, 1]} : vector<256x8192xf32> to vector<256x128xf32>
    %mul3A_1076 = arith.constant 2.000000e+00 : f32
    %mul3A_1077 = vector.broadcast %mul3A_1076 : f32 to vector<256x128xf32>
    %mul3A_1078 = arith.mulf %mul3A_1077, %slice3A_1075 : vector<256x128xf32>
    %sub3A_1079 = arith.subf %add3A_1074, %mul3A_1078 : vector<256x128xf32>
    %add3A_1080 = arith.constant 8.064000e+03 : f32
    %add3A_1081 = vector.broadcast %add3A_1080 : f32 to vector<256x128xf32>
    %add3A_1082 = arith.addf %convert_element_type3A, %add3A_1081 : vector<256x128xf32>
    %lt3A_1083 = arith.cmpf olt, %sub3A_1079, %min3A_1067 : vector<256x128xf32>
    %min3A_1084 = arith.minimumf %min3A_1067, %sub3A_1079 : vector<256x128xf32>
    %select_n3A_1085 = arith.select %lt3A_1083, %add3A_1082, %select_n3A_1068 : vector<256x128xi1>, vector<256x128xf32>
    %reduce_min3A = arith.constant dense<0x7F800000> : vector<256xf32>
    %reduce_min3A_1086 = vector.multi_reduction <minimumf>, %min3A_1084, %reduce_min3A [1] : vector<256x128xf32> to vector<256xf32>
    %broadcast_in_dim3A_1087 = vector.shape_cast %reduce_min3A_1086 : vector<256xf32> to vector<256x1xf32>
    %eq3A = vector.broadcast %broadcast_in_dim3A_1087 : vector<256x1xf32> to vector<256x128xf32>
    %eq3A_1088 = arith.cmpf oeq, %min3A_1084, %eq3A : vector<256x128xf32>
    %jit3A = arith.constant 3.000000e+38 : f32
    %broadcast_in_dim3A_1089 = vector.broadcast %jit3A : f32 to vector<256x128xf32>
    %select_n3A_1090 = arith.select %eq3A_1088, %select_n3A_1085, %broadcast_in_dim3A_1089 : vector<256x128xi1>, vector<256x128xf32>
    %reduce_min3A_1091 = arith.constant dense<0x7F800000> : vector<256xf32>
    %reduce_min3A_1092 = vector.multi_reduction <minimumf>, %select_n3A_1090, %reduce_min3A_1091 [1] : vector<256x128xf32> to vector<256xf32>
    %broadcast_in_dim3A_1093 = vector.shape_cast %reduce_min3A_1092 : vector<256xf32> to vector<256x1xf32>
    %convert_element_type3A_1094 = arith.fptosi %broadcast_in_dim3A_1093 : vector<256x1xf32> to vector<256x1xi32>
    %swap3A = arith.constant 0 : index
    %swap3A_1095 = arith.constant 0 : index
    %swap3A_1096 = vector.load %arg5[%swap3A, %swap3A_1095] : memref<256x1xi32, #tpu.memory_space<vmem>>, vector<256x1xi32>
    tpu.vector_store %arg5[%swap3A, %swap3A_1095], %convert_element_type3A_1094 {strides = array<i32>} : memref<256x1xi32, #tpu.memory_space<vmem>>, vector<256x1xi32>,
    %iota3A_1097 = tpu.iota {dimensions = array<i32: 1>} : vector<256x8192xi32>
    %eq3A_1098 = vector.broadcast %convert_element_type3A_1094 : vector<256x1xi32> to vector<256x8192xi32>
    %eq3A_1099 = arith.cmpi eq, %iota3A_1097, %eq3A_1098 : vector<256x8192xi32>
    %convert_element_type3A_1100 = arith.extui %eq3A_1099 : vector<256x8192xi1> to vector<256x8192xi32>
    %convert_element_type3A_1101 = arith.sitofp %convert_element_type3A_1100 : vector<256x8192xi32> to vector<256x8192xf32>
    %swap3A_1102 = arith.constant 0 : index
    %swap3A_1103 = arith.constant 0 : index
    %swap3A_1104 = vector.load %arg4[%swap3A_1102, %swap3A_1103] : memref<256x8192xf32, #tpu.memory_space<vmem>>, vector<256x8192xf32>
    tpu.vector_store %arg4[%swap3A_1102, %swap3A_1103], %convert_element_type3A_1101 {strides = array<i32>} : memref<256x8192xf32, #tpu.memory_space<vmem>>, vector<256x8192xf32>,
    %eq3A_1105 = arith.constant 0 : i32
    %eq3A_1106 = arith.cmpi eq, %arg0, %eq3A_1105 : i32
    %convert_element_type3A_1107 = arith.extui %eq3A_1106 : i1 to i32
    %cond3A = arith.constant 0 : i32
    %cond3A_1108 = arith.cmpi ne, %convert_element_type3A_1107, %cond3A : i32
    scf.if %cond3A_1108 {
      %broadcast_in_dim3A_1136 = arith.constant 0.000000e+00 : f32
      %broadcast_in_dim3A_1137 = vector.broadcast %broadcast_in_dim3A_1136 : f32 to vector<1x8192xf32>
      %swap3A_1138 = arith.constant 0 : index
      %swap3A_1139 = arith.constant 0 : index
      %swap3A_1140 = vector.load %arg8[%swap3A_1138, %swap3A_1139] : memref<1x8192xf32, #tpu.memory_space<vmem>>, vector<1x8192xf32>
      tpu.vector_store %arg8[%swap3A_1138, %swap3A_1139], %broadcast_in_dim3A_1137 {strides = array<i32>} : memref<1x8192xf32, #tpu.memory_space<vmem>>, vector<1x8192xf32>,
      %swap3A_1141 = arith.constant 0.000000e+00 : f32
      %swap3A_1142 = arith.constant 0 : index
      %swap3A_1143 = arith.constant 0 : index
      %swap3A_1144 = memref.load %arg9[%swap3A_1142, %swap3A_1143] : memref<1x1xf32, #tpu.memory_space<smem>>
      memref.store %swap3A_1141, %arg9[%swap3A_1142, %swap3A_1143] : memref<1x1xf32, #tpu.memory_space<smem>>
    } else {
    }
    %get3A_1109 = arith.constant 0 : index
    %get3A_1110 = arith.constant 0 : index
    %get3A_1111 = vector.load %arg8[%get3A_1109, %get3A_1110] : memref<1x8192xf32, #tpu.memory_space<vmem>>, vector<1x8192xf32>
    %reduce_sum3A_1112 = arith.constant dense<0.000000e+00> : vector<8192xf32>
    %reduce_sum3A_1113 = vector.multi_reduction <add>, %convert_element_type3A_1101, %reduce_sum3A_1112 [0] : vector<256x8192xf32> to vector<8192xf32>
    %broadcast_in_dim3A_1114 = vector.shape_cast %reduce_sum3A_1113 : vector<8192xf32> to vector<1x8192xf32>
    %add3A_1115 = arith.addf %get3A_1111, %broadcast_in_dim3A_1114 : vector<1x8192xf32>
    %swap3A_1116 = arith.constant 0 : index
    %swap3A_1117 = arith.constant 0 : index
    %swap3A_1118 = vector.load %arg8[%swap3A_1116, %swap3A_1117] : memref<1x8192xf32, #tpu.memory_space<vmem>>, vector<1x8192xf32>
    tpu.vector_store %arg8[%swap3A_1116, %swap3A_1117], %add3A_1115 {strides = array<i32>} : memref<1x8192xf32, #tpu.memory_space<vmem>>, vector<1x8192xf32>,
    %get3A_1119 = arith.constant 0 : index
    %get3A_1120 = arith.constant 0 : index
    %get3A_1121 = memref.load %arg9[%get3A_1119, %get3A_1120] : memref<1x1xf32, #tpu.memory_space<smem>>
    %reduce_sum3A_1122 = vector.shape_cast %broadcast_in_dim3A_1087 : vector<256x1xf32> to vector<1x256x1xf32>
    %reduce_sum3A_1123 = arith.constant dense<0.000000e+00> : vector<1xf32>
    %reduce_sum3A_1124 = vector.multi_reduction <add>, %reduce_sum3A_1122, %reduce_sum3A_1123 [1, 2] : vector<1x256x1xf32> to vector<1xf32>
    %reduce_sum3A_1125 = vector.shape_cast %reduce_sum3A_1124 : vector<1xf32> to vector<1x1x1xf32>
    %reduce_sum3A_1126 = vector.extract %reduce_sum3A_1125[0, 0, 0] : f32 from vector<1x1x1xf32>
    %add3A_1127 = arith.addf %get3A_1121, %reduce_sum3A_1126 : f32
    %swap3A_1128 = arith.constant 0 : index
    %swap3A_1129 = arith.constant 0 : index
    %swap3A_1130 = memref.load %arg9[%swap3A_1128, %swap3A_1129] : memref<1x1xf32, #tpu.memory_space<smem>>
    memref.store %add3A_1127, %arg9[%swap3A_1128, %swap3A_1129] : memref<1x1xf32, #tpu.memory_space<smem>>
    %eq3A_1131 = arith.constant 31 : i32
    %eq3A_1132 = arith.cmpi eq, %arg0, %eq3A_1131 : i32
    %convert_element_type3A_1133 = arith.extui %eq3A_1132 : i1 to i32
    %cond3A_1134 = arith.constant 0 : i32
    %cond3A_1135 = arith.cmpi ne, %convert_element_type3A_1133, %cond3A_1134 : i32
    scf.if %cond3A_1135 {
      %get3A_1136 = arith.constant 0 : index
      %get3A_1137 = arith.constant 0 : index
      %get3A_1138 = memref.load %arg9[%get3A_1136, %get3A_1137] : memref<1x1xf32, #tpu.memory_space<smem>>
      %div3A = arith.constant 0x4A000000 : f32
      %div3A_1139 = arith.divf %get3A_1138, %div3A : f32
      %mul3A_1140 = arith.constant 2.500000e-01 : f32
      %mul3A_1141 = arith.mulf %mul3A_1140, %div3A_1139 : f32
      %add3A_1142 = arith.addf %div3A_1139, %mul3A_1141 : f32
      %broadcast_in_dim3A_1143 = vector.broadcast %add3A_1142 : f32 to vector<1x1xf32>
      %swap3A_1144 = arith.constant 0 : index
      %swap3A_1145 = arith.constant 0 : index
      %swap3A_1146 = vector.load %arg6[%swap3A_1144, %swap3A_1145] : memref<1x1xf32, #tpu.memory_space<vmem>>, vector<1x1xf32>
      tpu.vector_store %arg6[%swap3A_1144, %swap3A_1145], %broadcast_in_dim3A_1143 {strides = array<i32>} : memref<1x1xf32, #tpu.memory_space<vmem>>, vector<1x1xf32>,
      %get3A_1147 = arith.constant 0 : index
      %get3A_1148 = arith.constant 0 : index
      %get3A_1149 = vector.load %arg8[%get3A_1147, %get3A_1148] : memref<1x8192xf32, #tpu.memory_space<vmem>>, vector<1x8192xf32>
      %mul3A_1150 = arith.constant 1.22070313E-4 : f32
      %mul3A_1151 = vector.broadcast %mul3A_1150 : f32 to vector<1x8192xf32>
      %mul3A_1152 = arith.mulf %get3A_1149, %mul3A_1151 : vector<1x8192xf32>
      %add3A_1153 = arith.constant 1.000000e-10 : f32
      %add3A_1154 = vector.broadcast %add3A_1153 : f32 to vector<1x8192xf32>
      %add3A_1155 = arith.addf %mul3A_1152, %add3A_1154 : vector<1x8192xf32>
      %log3A = math.log %add3A_1155 : vector<1x8192xf32>
      %mul3A_1156 = arith.mulf %mul3A_1152, %log3A : vector<1x8192xf32>
      %reduce_sum3A_1157 = arith.constant dense<0.000000e+00> : vector<1xf32>
      %reduce_sum3A_1158 = vector.multi_reduction <add>, %mul3A_1156, %reduce_sum3A_1157 [1] : vector<1x8192xf32> to vector<1xf32>
      %broadcast_in_dim3A_1159 = vector.shape_cast %reduce_sum3A_1158 : vector<1xf32> to vector<1x1xf32>
      %neg3A = arith.constant 0.000000e+00 : f32
      %neg3A_1160 = vector.broadcast %neg3A : f32 to vector<1x1xf32>
      %neg3A_1161 = arith.subf %neg3A_1160, %broadcast_in_dim3A_1159 : vector<1x1xf32>
      %exp3A = math.exp %neg3A_1161 : vector<1x1xf32>
      %swap3A_1162 = arith.constant 0 : index
      %swap3A_1163 = arith.constant 0 : index
      %swap3A_1164 = vector.load %arg7[%swap3A_1162, %swap3A_1163] : memref<1x1xf32, #tpu.memory_space<vmem>>, vector<1x1xf32>
      tpu.vector_store %arg7[%swap3A_1162, %swap3A_1163], %exp3A {strides = array<i32>} : memref<1x1xf32, #tpu.memory_space<vmem>>, vector<1x1xf32>,
    } else {
    }
    return
  }
  func.func @transform_0(%arg0: i32) -> (i32, i32) {
    %c0_i32 = arith.constant 0 : i32
    %c0_i32_0 = arith.constant 0 : i32
    return %arg0, %c0_i32 : i32, i32
  }
  func.func @transform_1(%arg0: i32) -> (i32, i32) {
    %c0_i32 = arith.constant 0 : i32
    %c0_i32_0 = arith.constant 0 : i32
    %c0_i32_1 = arith.constant 0 : i32
    return %c0_i32, %c0_i32_0 : i32, i32
  }
  func.func @transform_2(%arg0: i32) -> (i32, i32) {
    %c0_i32 = arith.constant 0 : i32
    %c0_i32_0 = arith.constant 0 : i32
    %c0_i32_1 = arith.constant 0 : i32
    return %c0_i32, %c0_i32_0 : i32, i32
  }
  func.func @transform_3(%arg0: i32) -> (i32, i32) {
    %c0_i32 = arith.constant 0 : i32
    %c0_i32_0 = arith.constant 0 : i32
    return %arg0, %c0_i32 : i32, i32
  }
  func.func @transform_4(%arg0: i32) -> (i32, i32) {
    %c0_i32 = arith.constant 0 : i32
    %c0_i32_0 = arith.constant 0 : i32
    return %arg0, %c0_i32 : i32, i32
  }
  func.func @transform_5(%arg0: i32) -> (i32, i32) {
    %c0_i32 = arith.constant 0 : i32
    %c0_i32_0 = arith.constant 0 : i32
    %c0_i32_1 = arith.constant 0 : i32
    return %c0_i32, %c0_i32_0 : i32, i32
  }
  func.func @transform_6(%arg0: i32) -> (i32, i32) {
    %c0_i32 = arith.constant 0 : i32
    %c0_i32_0 = arith.constant 0 : i32
    %c0_i32_1 = arith.constant 0 : i32
    return %c0_i32, %c0_i32_0 : i32, i32
  }
}

</mosaic_0001>

<sc_bundles>
// kernel: kernel.4.cloned.1.call-start
scs
__scs_entry_jumppad:
0x0: {  	(pc) =	sbr.rel $0x88, $3  }
0x1: {  	(tag) =	ssettag $0x0;
	lr =	simm.s32 $0x1  }
0x2: {  	[smem:$0x3F9F] =	sst lr;
	_ =	strace $0xD0000000  }
0x3: {  	_ = 	snop  }
0x4: {  	_ = 	snop  }
0x5: {  	_ = 	snop  }
0x6: {  	_ = 	snop  }
0x7: {  	_ = 	snop  }
__scs_overlays_trampoline_lowered:
0x8: {  	[smem:$0x3FAE] =	sst s0  }
0x9: {  	[smem:$0x3FAF] =	sst s1  }
0xa: {  	[smem:$0x3FB0] =	sst s2  }
0xb: {  	[smem:$0x3FB1] =	sst s3  }
0xc: {  	[smem:$0x3FB2] =	sst s4  }
0xd: {  	[smem:$0x3FB3] =	sst s5  }
0xe: {  	[smem:$0x3FB4] =	sst s6  }
0xf: {  	[smem:$0x3FB5] =	sst s7  }
0x10: {  	[smem:$0x3FB6] =	sst s8  }
0x11: {  	[smem:$0x3FB7] =	sst s9;
	s0 =	simm.s32 @!p0 $0x0  }
0x12: {  	s1 =	sld [smem:$0x3F9D];
	s0 =	simm.s32 @p0 $0x1  }
0x13: {  	[smem:$0x3FB8] =	sst s0;
	s0 =	simm.s32 @!p1 $0x0  }
0x14: {  	s2 =	sld [smem:$0x3F9C];
	s0 =	simm.s32 @p1 $0x1  }
0x15: {  	[smem:$0x3FB9] =	sst s0;
	s0 =	simm.s32 @!p2 $0x0  }
0x16: {  	s3 =	sld [smem:$0x3FDB];
	s0 =	simm.s32 @p2 $0x1  }
0x17: {  	s4 =	simm.s32 $0x1BF5;
	[smem:$0x3FBB] =	sst s0  }
0x18: {  	s0 =	sld [smem:$0x3F9E];
	_ =	swait.ge [sflag:s4], $0x0  }
0x19: {  	s7 =	sld [smem:$0x3F9F]  }
0x1a: {  	s8 =	sadd.s32 $0xFFFFE003, lr  }
0x1b: {  	s9 =	sadd.s32 $0xFFFFFEF7, lr;
	s5 =	simm.s32 $0xFFFFFFFF;
	p2 =	slt.u32 s8, $0xFFFFF086  }
0x1c: {  	p1 =	slt.u32 s9, $0xF7A;
	s5 =	simm.s32 @!p2 $0x0  }
0x1d: {  	s5 =	simm.s32 @p1 $0x1;
	p0 =	seq.s32 s7, s2  }
0x1e: {  	s7 =	smul.u32 @!p0 $0xF7A, s2;
	p2 =	seq.s32 @!p0 s5, $0x0  }
0x1f: {  	s9 =	smul.u32 $0xF7A, s1;
	s8 =	simm.s32 @!p0 $0x1BF5;
	p2 =	por !p2, p0  }
0x20: {  	[sflag:s8] =	ssyncset.s32 @!p0 $0xFFFFF086;
	s6 =	sadd.s32 @!p0 s3, s7;
	s7 =	simm.s32 @!p0 $0x108  }
0x21: {  	s3 =	sadd.s32 s3, s9;
	s6 =	sadd.s32 @!p0 $0x88, s6;
	s7 =	simm.s32 @p2 $0x1082  }
0x22: {  	[simem:s7], [sflag:s8] =	dma.local @!p0 [hbm:s6], $0xF7A  }
0x23: {  	s9 =	sor.u32 $0xD0000000, s2;
	s6 =	simm.s32 $0x108;
	_ =	swait.ge @!p0 [sflag:s8], $0x0  }
0x24: {  	s3 =	sadd.s32 $0x88, s3;
	s6 =	simm.s32 @!p1 $0x1082;
	[sflag:s4] =	ssyncset.s32 $0xFFFFF086  }
0x25: {  	[simem:s6], [sflag:s4] =	dma.local [hbm:s3], $0xF7A  }
0x26: {  	[smem:$0x3F9F] =	sst s1;
	(tag) =	ssettag s2;
	_ =	strace s9  }
0x27: {  	s1 =	sld [smem:$0x3FAF]  }
0x28: {  	s2 =	sld [smem:$0x3FB0]  }
0x29: {  	s4 =	sld [smem:$0x3FB2]  }
0x2a: {  	p0 =	seq.s32 s5, $0x0;
	s5 =	sld [smem:$0x3FB3]  }
0x2b: {  	s6 =	sld [smem:$0x3FB4]  }
0x2c: {  	s7 =	sld [smem:$0x3FB5]  }
0x2d: {  	s3 =	simm.s32 $0x108;
	s8 =	sld [smem:$0x3FB6]  }
0x2e: {  	s3 =	simm.s32 @!p0 $0x1082;
	s9 =	sld [smem:$0x3FB7]  }
0x2f: {  	lr =	sadd.s32 s0, s3;
	s0 =	sld [smem:$0x3FAE]  }
0x30: {  	s3 =	sld [smem:$0x3FB1]  }
0x31: {  	[smem:$0x3FBA] =	sst s10  }
0x32: {  	s10 =	sld [smem:$0x3FB8];
	_ =	sdelay $0x3  }
0x33: {  	p0 =	seq.s32 s10, $0x1;
	s10 =	sld [smem:$0x3FBA];
	_ =	sdelay $0x3  }
0x34: {  	[smem:$0x3FBA] =	sst s10  }
0x35: {  	s10 =	sld [smem:$0x3FB9];
	_ =	sdelay $0x3  }
0x36: {  	p1 =	seq.s32 s10, $0x1;
	s10 =	sld [smem:$0x3FBA];
	_ =	sdelay $0x3  }
0x37: {  	[smem:$0x3FBA] =	sst s10  }
0x38: {  	s10 =	sld [smem:$0x3FBB]  }
0x39: {  	_ = 	snop;
	(pc) =	sbr.ind lr, $3  }
0x3a: {  	_ = 	snop  }
0x3b: {  	_ = 	snop  }
0x3c: {  	p2 =	seq.s32 s10, $0x1;
	s10 =	sld [smem:$0x3FBA]  }
0x3d: {  	_ =	shalt  }
0x3e: {  	_ =	shalt  }
0x3f: {  	_ =	shalt  }
0x40: {  	_ =	shalt  }
0x41: {  	_ =	shalt  }
0x42: {  	_ =	shalt  }
0x43: {  	_ =	shalt  }
0x44: {  	_ =	shalt  }
0x45: {  	_ =	shalt  }
0x46: {  	_ =	shalt  }
0x47: {  	_ =	shalt  }
0x48: {  	_ =	shalt  }
0x49: {  	_ =	shalt  }
0x4a: {  	_ =	shalt  }
0x4b: {  	_ =	shalt  }
0x4c: {  	_ =	shalt  }
0x4d: {  	_ =	shalt  }
0x4e: {  	_ =	shalt  }
0x4f: {  	_ =	shalt  }
0x50: {  	_ =	shalt  }
0x51: {  	_ =	shalt  }
0x52: {  	_ =	shalt  }
0x53: {  	_ =	shalt  }
0x54: {  	_ =	shalt  }
0x55: {  	_ =	shalt  }
0x56: {  	_ =	shalt  }
0x57: {  	_ =	shalt  }
0x58: {  	_ =	shalt  }
0x59: {  	_ =	shalt  }
0x5a: {  	_ =	shalt  }
0x5b: {  	_ =	shalt  }
0x5c: {  	_ =	shalt  }
0x5d: {  	_ =	shalt  }
0x5e: {  	_ =	shalt  }
0x5f: {  	_ =	shalt  }
0x60: {  	_ =	shalt  }
0x61: {  	_ =	shalt  }
0x62: {  	_ =	shalt  }
0x63: {  	_ =	shalt  }
0x64: {  	_ =	shalt  }
0x65: {  	_ =	shalt  }
0x66: {  	_ =	shalt  }
0x67: {  	_ =	shalt  }
0x68: {  	_ =	shalt  }
0x69: {  	_ =	shalt  }
0x6a: {  	_ =	shalt  }
0x6b: {  	_ =	shalt  }
0x6c: {  	_ =	shalt  }
0x6d: {  	_ =	shalt  }
0x6e: {  	_ =	shalt  }
0x6f: {  	_ =	shalt  }
0x70: {  	_ =	shalt  }
0x71: {  	_ =	shalt  }
0x72: {  	_ =	shalt  }
0x73: {  	_ =	shalt  }
0x74: {  	_ =	shalt  }
0x75: {  	_ =	shalt  }
0x76: {  	_ =	shalt  }
0x77: {  	_ =	shalt  }
0x78: {  	_ =	shalt  }
0x79: {  	_ =	shalt  }
0x7a: {  	_ =	shalt  }
0x7b: {  	_ =	shalt  }
0x7c: {  	_ =	shalt  }
0x7d: {  	_ =	shalt  }
0x7e: {  	_ =	shalt  }
0x7f: {  	_ =	shalt  }
0x80: {  	_ =	shalt  }
0x81: {  	_ =	shalt  }
0x82: {  	_ =	shalt  }
0x83: {  	_ =	shalt  }
0x84: {  	_ =	shalt  }
0x85: {  	_ =	shalt  }
0x86: {  	_ =	shalt  }
0x87: {  	_ =	shalt  }
.Lfunc_end0:
.L_simem_size_0:
called_computation_lowered:
.L_overlay_start_0:
0x88: {  	s2 =	sld [smem:$0x3FD9]  }
0x89: {  	s3 =	sld [smem:$0x3FFE];
	_ =	sdelay $0x1  }
0x8a: {  	s1 =	srdreg.scid  }
0x8b: {  	s0 =	sand.u32 $0x1, s1  }
0x8c: {  	s14 =	sshll.u32 s0, $0xA;
	s2 =	sadd.s32 s3, s2  }
0x8d: {  	s2 =	sadd.s32 s2, s14  }
0x8e: {  	[smem:$0x3FC6] =	sst s2  }
0x8f: {  	_ = 	snop  }
0x90: {  	s2 =	sld [smem:$0x3FD0];
	_ =	sdelay $0x2  }
0x91: {  	s4 =	simm.s32 $0xA;
	s5 =	simm.s32 $0x10;
	s15 =	sld [smem:$0x3FC8]  }
0x92: {  	[smem:s5], [sflag:s4] =	dma.local [hbm:s2], $0x1  }
0x93: {  	_ =	swait.eq [sflag:s4], $0x1  }
0x94: {  	[sflag:s4] =	ssyncset.done $0x0  }
0x95: {  	[sflag:s4] =	ssyncadd.s32 $0xFFFFFFFF  }
0x96: {  	s16 =	sld [smem:$0x11];
	(tm) =	ssettm $0x1  }
0x97: {  	s17 =	sld [smem:$0x3FFB];
	_ =	sdelay $0x3  }
0x98: {  	_ =	strace s17  }
0x99: {  	s4 =	sld [smem:$0x3FFC];
	_ =	sdelay $0x3  }
0x9a: {  	_ =	strace s4  }
0x9b: {  	s4 =	sld [smem:$0x3FFD];
	_ =	sdelay $0x3  }
0x9c: {  	_ =	strace s4  }
0x9d: {  	_ =	strace $0x8FFFFFFF  }
0x9e: {  	s18 =	sld [smem:$0x3FDB];
	_ =	sdelay $0x1  }
0x9f: {  	s19 =	simm.s32 $_scs_section_size  }
0xa0: {  	s6 =	simm.s32 $_size__tile_overlayer_lowered;
	s7 =	simm.s32 $_tile_overlayer_lowered  }
0xa1: {  	s22 =	simm.s32 $0x1BFF;
	s21 =	sshll.u32 s7, $0x1;
	s4 =	sadd.s32 s19, s18  }
0xa2: {  	s8 =	simm.s32 $0x0;
	s20 =	sshll.u32 s6, $0x1;
	s6 =	sadd.s32 s21, s4  }
0xa3: {  	[timem:s8], [sflag:s22] =	dma.local [hbm:s6], s20  }
0xa4: {  	_ =	swait.ge [sflag:s22], s20  }
0xa5: {  	s5 =	ssub.s32 $0x0, s20;
	[sflag:s22] =	ssyncset.done $0x0  }
0xa6: {  	[sflag:s22] =	ssyncadd.s32 s5;
	_ =	sdelay $0x1  }
0xa7: {  	s23 =	simm.s32 $0x1B8B  }
0xa8: {  	_ =	swait.ge [sflag:s23], $0x1  }
0xa9: {  	[sflag:s23] =	ssyncset.done $0x0  }
0xaa: {  	s25 =	simm.s32 $0x1B8E;
	s24 =	sld [smem:$0x3FFE];
	[sflag:s23] =	ssyncadd.s32 $0xFFFFFFFF  }
0xab: {  	s26 =	simm.s32 $execute0_lowered;
	[smem:$0x3FD2] =	sst s25  }
0xac: {  	s6 =	sshll.u32 s26, $0x1;
	_ =	strace $0x80000046;
	[dreg:$0x1] =	wrdreg $0xFFFFFFFF  }
0xad: {  	s28 =	simm.s32 $_size_execute0_lowered;
	s4 =	sadd.s32 s4, s6;
	[dreg:$0x0] =	wrdreg $0x0  }
0xae: {  	s6 =	sshll.u32 s28, $0x1;
	[dreg:$0x2] =	wrdreg s4  }
0xaf: {  	[dreg:$0x3] =	wrdreg s6  }
0xb0: {  	[dreg:$0x4] =	wrdreg $0xC0  }
0xb1: {  	_ =	task [dreg:s8], $0x5FFFF  }
0xb2: {  	[dreg:$0x1] =	wrdreg $0xFFFFFFFF  }
0xb3: {  	[dreg:$0x0] =	wrdreg $0x60  }
0xb4: {  	[dreg:$0x2] =	wrdreg s24  }
0xb5: {  	[dreg:$0x3] =	wrdreg s15  }
0xb6: {  	[dreg:$0x4] =	wrdreg s16  }
0xb7: {  	[dreg:$0x5] =	wrdreg $0x9  }
0xb8: {  	_ =	task.clear_ibuf [dreg:s8], $0x6FFFF;
	_ =	strace $0x90000046  }
0xb9: {  	s29 =	simm.s32 $0x9;
	_ =	strace $0x80000048  }
0xba: {  	_ =	swait.ge [sflag:s29], $0x1  }
0xbb: {  	[sflag:s29] =	ssyncadd.s32 $0xFFFFFFFF  }
0xbc: {  	_ =	strace $0x90000048  }
0xbd: {  	_ =	sfence  }
0xbe: {  	s30 =	sld [smem:$0x0];
	_ =	sdelay $0x2  }
0xbf: {  	s31 =	sshll.u32 s1, $0xD;
	s1 =	sshrl.u32 s1, $0x2  }
0xc0: {  	s3 =	sand.u32 $0x4000, s31;
	s1 =	sadd.s32 s1, s30  }
0xc1: {  	s0 =	sor.u32 s3, s0;
	s1 =	sshll.u32 s1, $0x11  }
0xc2: {  	s0 =	sor.u32 s1, s0  }
0xc3: {  	s0 =	sadd.s32 $0x8F2B, s0  }
0xc4: {  	[sflag:s0] =	ssyncadd.remote.s32 $0x1  }
0xc5: {  	_ =	sfence.sel $0xFFFF  }
0xc6: {  	[dreg:$0x0] =	wrdreg $0xFFFFFFFF;
	(pc) =	sbr.abs _section_cstart, $3  }
0xc7: {  	[dreg:$0x1] =	wrdreg $0xFFFFFFFF  }
0xc8: {  	_ =	task.clear_ibuf [dreg:s8], $0x2FFFF;
	_ =	strace $0x9FFFFFFF  }
0xc9: {  	(tm) =	ssettm $0x7FFFFFFF  }
tec
execute0_lowered:
.L_overlay_start_1:
0x0: {  	(tag) =	ssettag $0x1  }
0x1: {  	s1 =	rddreg [dreg:$0x0];
	s3 =	srdreg.scid  }
0x2: {  	s2 =	rddreg [dreg:$0x1];
	s0 =	stileid.u32  }
0x3: {  	s5 =	rddreg [dreg:$0x2];
	s17 =	simm.s32 $0x80;
	s18 =	simm.s32 $0x900  }
0x4: {  	s19 =	simm.s32 $0x1100;
	s4 =	sand.u32 $0x1, s3;
	s3 =	simm.s32 $0x0  }
0x5: {  	s20 =	simm.s32 $0x1900;
	s21 =	simm.s32 $0x2100;
	[smem:$0x7FF] =	sst s3  }
0x6: {  	s23 =	simm.s32 $0x2900;
	_ =	strace $0x80000047;
	[dreg:$0x8] =	wrdreg s17  }
0x7: {  	s24 =	simm.s32 $0x3100;
	s25 =	simm.s32 $0x3900;
	[dreg:$0x9] =	wrdreg s18  }
0x8: {  	s26 =	simm.s32 $0x4100;
	s10 =	simm.s32 $0x6100;
	[dreg:$0xa] =	wrdreg s19  }
0x9: {  	s11 =	simm.s32 $0x6900;
	s12 =	simm.s32 $0x7100;
	[dreg:$0xb] =	wrdreg s20  }
0xa: {  	s13 =	simm.s32 $0x7900;
	s28 =	simm.s32 $0xE900;
	[dreg:$0xc] =	wrdreg s21  }
0xb: {  	s29 =	simm.s32 $0xF100;
	s30 =	simm.s32 $0xF900;
	[dreg:$0xd] =	wrdreg s23  }
0xc: {  	s31 =	simm.s32 $0x1;
	s6 =	sshll.u32 s0, $0x9;
	[dreg:$0xe] =	wrdreg s24  }
0xd: {  	s7 =	sshll.u32 s4, $0x8;
	s4 =	ssub.s32 $0x2, s4;
	[dreg:$0xf] =	wrdreg s25  }
0xe: {  	s6 =	sor.u32 s7, s6;
	s22 =	sshrl.u32 s4, $0x1;
	[dreg:$0x10] =	wrdreg s26  }
0xf: {  	s17 =	simm.s32 $0x9900;
	s18 =	simm.s32 $0xA100;
	s19 =	simm.s32 $0xA900  }
0x10: {  	s20 =	simm.s32 $0xB100;
	s21 =	simm.s32 $0xB900;
	s23 =	simm.s32 $0xC900  }
0x11: {  	s24 =	simm.s32 $0xD100;
	s25 =	simm.s32 $0xD900;
	s26 =	simm.s32 $0xE100  }
0x12: {  	s7 =	sshrl.u32 s6, $0x3;
	s8 =	sor.u32 $0x80, s6;
	s6 =	sshll.u32 s6, $0x5  }
0x13: {  	s4 =	ssub.s32 s4, s22;
	s22 =	simm.s32 $0xC100;
	s7 =	sadd.s32 s1, s7  }
0x14: {  	s9 =	sshrl.u32 s8, $0x3;
	s14 =	sadd.s32 s5, s6;
	s15 =	sshll.u32 s8, $0x5  }
0x15: {  	s4 =	smax.u32 s4, $0x1;
	s6 =	simm.s32 $0x100;
	[dreg:$0x4] =	wrdreg s7  }
0x16: {  	s8 =	simm.s32 $0x5100;
	s1 =	sadd.s32 s1, s9;
	[dreg:$0x6] =	wrdreg s14  }
0x17: {  	v2 =	vlaneseq.u32;
	s16 =	sadd.s32 s5, s15;
	s5 =	simm.s32 $0x3;
	s9 =	simm.s32 $0x5900  }
0x18: {  	vm0 =	vmmov $0xffff;
	v1 =	vshrl.u32 v2, $0x3;
	s14 =	simm.s32 $0x8100;
	s15 =	simm.s32 $0x8900;
	[dreg:$0x5] =	wrdreg s1  }
0x19: {  	v0 =	vand.u32 $0x7, v2;
	v2 =	vor.u32 $0x8, v2;
	v1 =	vmul.u32 $0x8, v1;
	[dreg:$0x7] =	wrdreg s16;
	s16 =	simm.s32 $0x9100;
	s1 =	simm.s32 $0x2  }
.LBB2_1:
0x1a: {  	s0 =	rddreg [dreg:$0x4]  }
0x1b: {  	[tilespmem:s3], [sflag:$0x3] =	stream.linear.gather [hbm4b:s0+s3], $0x80, $0x38;
	[tilespmem:$0x10100] =	vst v63  }
0x1c: {  	_ =	swait.ge [sflag:s5], $0x80  }
0x1d: {  	s0 =	rddreg [dreg:$0x5];
	[sflag:s5] =	ssyncset.done $0x0  }
0x1e: {  	s7 =	rddreg [dreg:$0x8];
	[sflag:s5] =	ssyncadd.s32 $0xFFFFFF80  }
0x1f: {  	[tilespmem:s7], [sflag:$0x3] =	stream.linear.gather [hbm4b:s0+s3], $0x80, $0x38;
	[tilespmem:$0x10100] =	vst v63  }
0x20: {  	_ =	swait.ge [sflag:s5], $0x80  }
0x21: {  	[sflag:s5] =	ssyncset.done $0x0  }
0x22: {  	[sflag:s5] =	ssyncadd.s32 $0xFFFFFF80  }
0x23: {  	v3 =	vld [tilespmem:$0x0];
	_ =	sdelay $0x4  }
0x24: {  	v4 =	vshll.u32 v3, $0x1  }
0x25: {  	v3 =	vand.u32 $0x7, v3;
	v4 =	vand.u32 $0xFFFFFFF0, v4  }
0x26: {  	v3 =	vor.u32 v3, v4  }
0x27: {  	v4 =	vperm.xlane v3, v0;
	_ =	sdelay $0x1  }
0x28: {  	v3 =	vperm.xlane v3, v2;
	v4 =	vadd.s32 v1, v4;
	_ =	sdelay $0x1  }
0x29: {  	v3 =	vadd.s32 v1, v3;
	_ =	sdelay $0x2  }
0x2a: {  	[tilespmem:s6], [sflag:$0x1] =	stream.indirect_vreg.gather [hbm4b:s2+s3], $0x80, v4, vm0, $0xb8;
	[tilespmem:$0x10100] =	vst v63  }
0x2b: {  	s7 =	rddreg [dreg:$0x9]  }
0x2c: {  	[tilespmem:s7], [sflag:$0x1] =	stream.indirect_vreg.gather [hbm4b:s2+s3], $0x80, v3, vm0, $0xb8;
	[tilespmem:$0x10100] =	vst v63  }
0x2d: {  	v3 =	vld [tilespmem:$0x10];
	_ =	sdelay $0x4  }
0x2e: {  	v49 =	vshll.u32 v3, $0x1  }
0x2f: {  	v3 =	vand.u32 $0x7, v3;
	v4 =	vand.u32 $0xFFFFFFF0, v49  }
0x30: {  	v3 =	vor.u32 v3, v4  }
0x31: {  	v4 =	vperm.xlane v3, v0;
	_ =	sdelay $0x1  }
0x32: {  	v3 =	vperm.xlane v3, v2;
	v4 =	vadd.s32 v1, v4;
	_ =	sdelay $0x1  }
0x33: {  	v3 =	vadd.s32 v1, v3;
	_ =	sdelay $0x1  }
0x34: {  	s0 =	rddreg [dreg:$0xa]  }
0x35: {  	[tilespmem:s0], [sflag:$0x1] =	stream.indirect_vreg.gather [hbm4b:s2+s3], $0x80, v4, vm0, $0xb8;
	[tilespmem:$0x10100] =	vst v63  }
0x36: {  	s7 =	rddreg [dreg:$0xb]  }
0x37: {  	[tilespmem:s7], [sflag:$0x1] =	stream.indirect_vreg.gather [hbm4b:s2+s3], $0x80, v3, vm0, $0xb8;
	[tilespmem:$0x10100] =	vst v63  }
0x38: {  	v3 =	vld [tilespmem:$0x20];
	_ =	sdelay $0x4  }
0x39: {  	v50 =	vshll.u32 v3, $0x1  }
0x3a: {  	v3 =	vand.u32 $0x7, v3;
	v4 =	vand.u32 $0xFFFFFFF0, v50  }
0x3b: {  	v3 =	vor.u32 v3, v4  }
0x3c: {  	v4 =	vperm.xlane v3, v0;
	_ =	sdelay $0x1  }
0x3d: {  	v3 =	vperm.xlane v3, v2;
	v4 =	vadd.s32 v1, v4;
	_ =	sdelay $0x1  }
0x3e: {  	v3 =	vadd.s32 v1, v3;
	_ =	sdelay $0x1  }
0x3f: {  	s0 =	rddreg [dreg:$0xc]  }
0x40: {  	[tilespmem:s0], [sflag:$0x1] =	stream.indirect_vreg.gather [hbm4b:s2+s3], $0x80, v4, vm0, $0xb8;
	[tilespmem:$0x10100] =	vst v63  }
0x41: {  	s7 =	rddreg [dreg:$0xd]  }
0x42: {  	[tilespmem:s7], [sflag:$0x1] =	stream.indirect_vreg.gather [hbm4b:s2+s3], $0x80, v3, vm0, $0xb8;
	[tilespmem:$0x10100] =	vst v63  }
0x43: {  	v3 =	vld [tilespmem:$0x30];
	_ =	sdelay $0x4  }
0x44: {  	v51 =	vshll.u32 v3, $0x1  }
0x45: {  	v3 =	vand.u32 $0x7, v3;
	v4 =	vand.u32 $0xFFFFFFF0, v51  }
0x46: {  	v3 =	vor.u32 v3, v4  }
0x47: {  	v4 =	vperm.xlane v3, v0;
	_ =	sdelay $0x1  }
0x48: {  	v3 =	vperm.xlane v3, v2;
	v4 =	vadd.s32 v1, v4;
	_ =	sdelay $0x1  }
0x49: {  	v3 =	vadd.s32 v1, v3;
	_ =	sdelay $0x1  }
0x4a: {  	s0 =	rddreg [dreg:$0xe]  }
0x4b: {  	[tilespmem:s0], [sflag:$0x1] =	stream.indirect_vreg.gather [hbm4b:s2+s3], $0x80, v4, vm0, $0xb8;
	[tilespmem:$0x10100] =	vst v63  }
0x4c: {  	s7 =	rddreg [dreg:$0xf]  }
0x4d: {  	[tilespmem:s7], [sflag:$0x1] =	stream.indirect_vreg.gather [hbm4b:s2+s3], $0x80, v3, vm0, $0xb8;
	[tilespmem:$0x10100] =	vst v63  }
0x4e: {  	v3 =	vld [tilespmem:$0x40];
	_ =	sdelay $0x4  }
0x4f: {  	v52 =	vshll.u32 v3, $0x1  }
0x50: {  	v3 =	vand.u32 $0x7, v3;
	v4 =	vand.u32 $0xFFFFFFF0, v52  }
0x51: {  	v3 =	vor.u32 v3, v4  }
0x52: {  	v4 =	vperm.xlane v3, v0;
	_ =	sdelay $0x1  }
0x53: {  	v3 =	vperm.xlane v3, v2;
	v4 =	vadd.s32 v1, v4;
	_ =	sdelay $0x1  }
0x54: {  	v3 =	vadd.s32 v1, v3;
	_ =	sdelay $0x1  }
0x55: {  	s7 =	rddreg [dreg:$0x10]  }
0x56: {  	[tilespmem:s7], [sflag:$0x1] =	stream.indirect_vreg.gather [hbm4b:s2+s3], $0x80, v4, vm0, $0xb8;
	[tilespmem:$0x10100] =	vst v63  }
0x57: {  	s7 =	simm.s32 $0x4900  }
0x58: {  	[tilespmem:s7], [sflag:$0x1] =	stream.indirect_vreg.gather [hbm4b:s2+s3], $0x80, v3, vm0, $0xb8;
	[tilespmem:$0x10100] =	vst v63  }
0x59: {  	v3 =	vld [tilespmem:$0x50];
	_ =	sdelay $0x4  }
0x5a: {  	v53 =	vshll.u32 v3, $0x1  }
0x5b: {  	v3 =	vand.u32 $0x7, v3;
	v4 =	vand.u32 $0xFFFFFFF0, v53  }
0x5c: {  	v3 =	vor.u32 v3, v4  }
0x5d: {  	v4 =	vperm.xlane v3, v0;
	_ =	sdelay $0x1  }
0x5e: {  	v3 =	vperm.xlane v3, v2;
	v4 =	vadd.s32 v1, v4;
	_ =	sdelay $0x1  }
0x5f: {  	v3 =	vadd.s32 v1, v3;
	_ =	sdelay $0x2  }
0x60: {  	[tilespmem:s8], [sflag:$0x1] =	stream.indirect_vreg.gather [hbm4b:s2+s3], $0x80, v4, vm0, $0xb8;
	[tilespmem:$0x10100] =	vst v63  }
0x61: {  	_ = 	snop  }
0x62: {  	[tilespmem:s9], [sflag:$0x1] =	stream.indirect_vreg.gather [hbm4b:s2+s3], $0x80, v3, vm0, $0xb8;
	[tilespmem:$0x10100] =	vst v63  }
0x63: {  	v3 =	vld [tilespmem:$0x60];
	_ =	sdelay $0x4  }
0x64: {  	v54 =	vshll.u32 v3, $0x1  }
0x65: {  	v3 =	vand.u32 $0x7, v3;
	v4 =	vand.u32 $0xFFFFFFF0, v54  }
0x66: {  	v3 =	vor.u32 v3, v4  }
0x67: {  	v4 =	vperm.xlane v3, v0;
	_ =	sdelay $0x1  }
0x68: {  	v3 =	vperm.xlane v3, v2;
	v4 =	vadd.s32 v1, v4;
	_ =	sdelay $0x1  }
0x69: {  	v3 =	vadd.s32 v1, v3;
	_ =	sdelay $0x2  }
0x6a: {  	[tilespmem:s10], [sflag:$0x1] =	stream.indirect_vreg.gather [hbm4b:s2+s3], $0x80, v4, vm0, $0xb8;
	[tilespmem:$0x10100] =	vst v63  }
0x6b: {  	_ = 	snop  }
0x6c: {  	[tilespmem:s11], [sflag:$0x1] =	stream.indirect_vreg.gather [hbm4b:s2+s3], $0x80, v3, vm0, $0xb8;
	[tilespmem:$0x10100] =	vst v63  }
0x6d: {  	v3 =	vld [tilespmem:$0x70];
	_ =	sdelay $0x4  }
0x6e: {  	v55 =	vshll.u32 v3, $0x1  }
0x6f: {  	v3 =	vand.u32 $0x7, v3;
	v4 =	vand.u32 $0xFFFFFFF0, v55  }
0x70: {  	v3 =	vor.u32 v3, v4  }
0x71: {  	v4 =	vperm.xlane v3, v0;
	_ =	sdelay $0x1  }
0x72: {  	v3 =	vperm.xlane v3, v2;
	v4 =	vadd.s32 v1, v4;
	_ =	sdelay $0x1  }
0x73: {  	v3 =	vadd.s32 v1, v3;
	_ =	sdelay $0x2  }
0x74: {  	[tilespmem:s12], [sflag:$0x1] =	stream.indirect_vreg.gather [hbm4b:s2+s3], $0x80, v4, vm0, $0xb8;
	[tilespmem:$0x10100] =	vst v63  }
0x75: {  	_ = 	snop  }
0x76: {  	[tilespmem:s13], [sflag:$0x1] =	stream.indirect_vreg.gather [hbm4b:s2+s3], $0x80, v3, vm0, $0xb8;
	[tilespmem:$0x10100] =	vst v63  }
0x77: {  	v3 =	vld [tilespmem:$0x80];
	_ =	sdelay $0x4  }
0x78: {  	v56 =	vshll.u32 v3, $0x1  }
0x79: {  	v3 =	vand.u32 $0x7, v3;
	v4 =	vand.u32 $0xFFFFFFF0, v56  }
0x7a: {  	v3 =	vor.u32 v3, v4  }
0x7b: {  	v4 =	vperm.xlane v3, v0;
	_ =	sdelay $0x1  }
0x7c: {  	v3 =	vperm.xlane v3, v2;
	v4 =	vadd.s32 v1, v4;
	_ =	sdelay $0x1  }
0x7d: {  	v3 =	vadd.s32 v1, v3;
	_ =	sdelay $0x2  }
0x7e: {  	[tilespmem:s14], [sflag:$0x1] =	stream.indirect_vreg.gather [hbm4b:s2+s3], $0x80, v4, vm0, $0xb8;
	[tilespmem:$0x10100] =	vst v63  }
0x7f: {  	_ = 	snop  }
0x80: {  	[tilespmem:s15], [sflag:$0x1] =	stream.indirect_vreg.gather [hbm4b:s2+s3], $0x80, v3, vm0, $0xb8;
	[tilespmem:$0x10100] =	vst v63  }
0x81: {  	v3 =	vld [tilespmem:$0x90];
	_ =	sdelay $0x4  }
0x82: {  	v57 =	vshll.u32 v3, $0x1  }
0x83: {  	v3 =	vand.u32 $0x7, v3;
	v4 =	vand.u32 $0xFFFFFFF0, v57  }
0x84: {  	v3 =	vor.u32 v3, v4  }
0x85: {  	v4 =	vperm.xlane v3, v0;
	_ =	sdelay $0x1  }
0x86: {  	v3 =	vperm.xlane v3, v2;
	v4 =	vadd.s32 v1, v4;
	_ =	sdelay $0x1  }
0x87: {  	v3 =	vadd.s32 v1, v3;
	_ =	sdelay $0x2  }
0x88: {  	[tilespmem:s16], [sflag:$0x1] =	stream.indirect_vreg.gather [hbm4b:s2+s3], $0x80, v4, vm0, $0xb8;
	[tilespmem:$0x10100] =	vst v63  }
0x89: {  	_ = 	snop  }
0x8a: {  	[tilespmem:s17], [sflag:$0x1] =	stream.indirect_vreg.gather [hbm4b:s2+s3], $0x80, v3, vm0, $0xb8;
	[tilespmem:$0x10100] =	vst v63  }
0x8b: {  	v3 =	vld [tilespmem:$0xA0];
	_ =	sdelay $0x4  }
0x8c: {  	v58 =	vshll.u32 v3, $0x1  }
0x8d: {  	v3 =	vand.u32 $0x7, v3;
	v4 =	vand.u32 $0xFFFFFFF0, v58  }
0x8e: {  	v3 =	vor.u32 v3, v4  }
0x8f: {  	v4 =	vperm.xlane v3, v0;
	_ =	sdelay $0x1  }
0x90: {  	v3 =	vperm.xlane v3, v2;
	v4 =	vadd.s32 v1, v4;
	_ =	sdelay $0x1  }
0x91: {  	v3 =	vadd.s32 v1, v3;
	_ =	sdelay $0x2  }
0x92: {  	[tilespmem:s18], [sflag:$0x1] =	stream.indirect_vreg.gather [hbm4b:s2+s3], $0x80, v4, vm0, $0xb8;
	[tilespmem:$0x10100] =	vst v63  }
0x93: {  	_ = 	snop  }
0x94: {  	[tilespmem:s19], [sflag:$0x1] =	stream.indirect_vreg.gather [hbm4b:s2+s3], $0x80, v3, vm0, $0xb8;
	[tilespmem:$0x10100] =	vst v63  }
0x95: {  	v3 =	vld [tilespmem:$0xB0];
	_ =	sdelay $0x4  }
0x96: {  	v59 =	vshll.u32 v3, $0x1  }
0x97: {  	v3 =	vand.u32 $0x7, v3;
	v4 =	vand.u32 $0xFFFFFFF0, v59  }
0x98: {  	v3 =	vor.u32 v3, v4  }
0x99: {  	v4 =	vperm.xlane v3, v0;
	_ =	sdelay $0x1  }
0x9a: {  	v3 =	vperm.xlane v3, v2;
	v4 =	vadd.s32 v1, v4;
	_ =	sdelay $0x1  }
0x9b: {  	v3 =	vadd.s32 v1, v3;
	_ =	sdelay $0x2  }
0x9c: {  	[tilespmem:s20], [sflag:$0x1] =	stream.indirect_vreg.gather [hbm4b:s2+s3], $0x80, v4, vm0, $0xb8;
	[tilespmem:$0x10100] =	vst v63  }
0x9d: {  	_ = 	snop  }
0x9e: {  	[tilespmem:s21], [sflag:$0x1] =	stream.indirect_vreg.gather [hbm4b:s2+s3], $0x80, v3, vm0, $0xb8;
	[tilespmem:$0x10100] =	vst v63  }
0x9f: {  	v3 =	vld [tilespmem:$0xC0];
	_ =	sdelay $0x4  }
0xa0: {  	v60 =	vshll.u32 v3, $0x1  }
0xa1: {  	v3 =	vand.u32 $0x7, v3;
	v4 =	vand.u32 $0xFFFFFFF0, v60  }
0xa2: {  	v3 =	vor.u32 v3, v4  }
0xa3: {  	v4 =	vperm.xlane v3, v0;
	_ =	sdelay $0x1  }
0xa4: {  	v3 =	vperm.xlane v3, v2;
	v4 =	vadd.s32 v1, v4;
	_ =	sdelay $0x1  }
0xa5: {  	v3 =	vadd.s32 v1, v3;
	_ =	sdelay $0x2  }
0xa6: {  	[tilespmem:s22], [sflag:$0x1] =	stream.indirect_vreg.gather [hbm4b:s2+s3], $0x80, v4, vm0, $0xb8;
	[tilespmem:$0x10100] =	vst v63  }
0xa7: {  	_ = 	snop  }
0xa8: {  	[tilespmem:s23], [sflag:$0x1] =	stream.indirect_vreg.gather [hbm4b:s2+s3], $0x80, v3, vm0, $0xb8;
	[tilespmem:$0x10100] =	vst v63  }
0xa9: {  	v3 =	vld [tilespmem:$0xD0];
	_ =	sdelay $0x4  }
0xaa: {  	v61 =	vshll.u32 v3, $0x1  }
0xab: {  	v3 =	vand.u32 $0x7, v3;
	v4 =	vand.u32 $0xFFFFFFF0, v61  }
0xac: {  	v3 =	vor.u32 v3, v4  }
0xad: {  	v4 =	vperm.xlane v3, v0;
	_ =	sdelay $0x1  }
0xae: {  	v3 =	vperm.xlane v3, v2;
	v4 =	vadd.s32 v1, v4;
	_ =	sdelay $0x1  }
0xaf: {  	v3 =	vadd.s32 v1, v3;
	_ =	sdelay $0x2  }
0xb0: {  	[tilespmem:s24], [sflag:$0x1] =	stream.indirect_vreg.gather [hbm4b:s2+s3], $0x80, v4, vm0, $0xb8;
	[tilespmem:$0x10100] =	vst v63  }
0xb1: {  	_ = 	snop  }
0xb2: {  	[tilespmem:s25], [sflag:$0x1] =	stream.indirect_vreg.gather [hbm4b:s2+s3], $0x80, v3, vm0, $0xb8;
	[tilespmem:$0x10100] =	vst v63  }
0xb3: {  	v3 =	vld [tilespmem:$0xE0];
	_ =	sdelay $0x4  }
0xb4: {  	v62 =	vshll.u32 v3, $0x1  }
0xb5: {  	v3 =	vand.u32 $0x7, v3;
	v4 =	vand.u32 $0xFFFFFFF0, v62  }
0xb6: {  	v3 =	vor.u32 v3, v4  }
0xb7: {  	v4 =	vperm.xlane v3, v0;
	_ =	sdelay $0x1  }
0xb8: {  	v3 =	vperm.xlane v3, v2;
	v4 =	vadd.s32 v1, v4;
	_ =	sdelay $0x1  }
0xb9: {  	v3 =	vadd.s32 v1, v3;
	_ =	sdelay $0x2  }
0xba: {  	[tilespmem:s26], [sflag:$0x1] =	stream.indirect_vreg.gather [hbm4b:s2+s3], $0x80, v4, vm0, $0xb8;
	[tilespmem:$0x10100] =	vst v63  }
0xbb: {  	_ = 	snop  }
0xbc: {  	[tilespmem:s28], [sflag:$0x1] =	stream.indirect_vreg.gather [hbm4b:s2+s3], $0x80, v3, vm0, $0xb8;
	[tilespmem:$0x10100] =	vst v63  }
0xbd: {  	v3 =	vld [tilespmem:$0xF0];
	_ =	sdelay $0x4  }
0xbe: {  	v63 =	vshll.u32 v3, $0x1  }
0xbf: {  	v3 =	vand.u32 $0x7, v3;
	v4 =	vand.u32 $0xFFFFFFF0, v63  }
0xc0: {  	v3 =	vor.u32 v3, v4  }
0xc1: {  	v4 =	vperm.xlane v3, v0;
	_ =	sdelay $0x1  }
0xc2: {  	v3 =	vperm.xlane v3, v2;
	v4 =	vadd.s32 v1, v4;
	_ =	sdelay $0x1  }
0xc3: {  	v3 =	vadd.s32 v1, v3;
	_ =	sdelay $0x2  }
0xc4: {  	[tilespmem:s29], [sflag:$0x1] =	stream.indirect_vreg.gather [hbm4b:s2+s3], $0x80, v4, vm0, $0xb8;
	[tilespmem:$0x10100] =	vst v63  }
0xc5: {  	_ = 	snop  }
0xc6: {  	[tilespmem:s30], [sflag:$0x1] =	stream.indirect_vreg.gather [hbm4b:s2+s3], $0x80, v3, vm0, $0xb8;
	[tilespmem:$0x10100] =	vst v63  }
0xc7: {  	_ =	swait.ge [sflag:s31], $0x8000  }
0xc8: {  	[sflag:s31] =	ssyncset.done $0x0  }
0xc9: {  	s7 =	rddreg [dreg:$0x6];
	[sflag:s31] =	ssyncadd.s32 $0xFFFF8000  }
0xca: {  	[hbm4b:s7+s3] =	stream.linear.scatter [tilespmem:s6], [sflag:$0x2], $0x8000, $0x38;
	[tilespmem:$0x10100] =	vst v63  }
0xcb: {  	_ =	swait.ge [sflag:s31], $0x8000  }
0xcc: {  	[sflag:s31] =	ssyncset.done $0x0  }
0xcd: {  	s7 =	rddreg [dreg:$0x7];
	[sflag:s31] =	ssyncadd.s32 $0xFFFF8000  }
0xce: {  	[hbm4b:s7+s3] =	stream.linear.scatter [tilespmem:s14], [sflag:$0x2], $0x8000, $0x38;
	[tilespmem:$0x10100] =	vst v63  }
0xcf: {  	p0 =	sne.s32 s4, $0x1;
	_ =	swait.ge [sflag:s1], $0x8000  }
.Ltmp0:
0xd0: {  	[sflag:s1] =	ssyncset.done $0x0;
	(pc) =	sbr.rel @p0 .LBB2_1-.Ltmp0, $4  }
0xd1: {  	[sflag:s1] =	ssyncadd.s32 $0xFFFF8000  }
0xd2: {  	_ =	swait.ge [sflag:s1], $0x8000  }
0xd3: {  	[sflag:s1] =	ssyncset.done $0x0  }
0xd4: {  	s4 =	sadd.s32 $0xFFFFFFFF, s4;
	[sflag:s1] =	ssyncadd.s32 $0xFFFF8000  }
0xd5: {  	_ =	sfence.sel $0x180000  }
0xd6: {  	[bflag:$0x0] =	sbarrier.arrive $0xFFFF  }
0xd7: {  	_ =	strace $0x90000047  }
0xd8: {  	s0 =	stileid.u32;
	[bflag:$0x2] =	sbarrier.arrive $0xFFFF  }
0xd9: {  	p0 =	sne.s32 s0, $0x0;
	s0 =	rddreg [dreg:$0x3]  }
0xda: {  	s0 =	sadd.s32 @!p0 $0x100000, s0  }
0xdb: {  	[sflag:s0] =	ssyncadd.tile.s32 @!p0 $0x1;
	_ =	shalt  }
.Lfunc_end2:
_tile_overlayer_lowered:
.L_overlay_start_2:
0xdc: {  	(tag) =	ssettag $0x2  }
0xdd: {  	s0 =	rddreg [dreg:$0x0];
	s2 =	stileid.u32  }
0xde: {  	s1 =	rddreg [dreg:$0x1];
	p0 =	sne.s32 s2, $0x0  }
0xdf: {  	s3 =	rddreg [dreg:$0x2];
	[bflag:$0x3] =	sbarrier.arrive $0xFFFF;
	s2 =	simm.s32 @!p0 $0x1C03  }
0xe0: {  	[timem:s3], [sflag:s2] =	dma.local @!p0 [hbm:s0], s1  }
0xe1: {  	s0 =	simm.s32 @!p0 $0x3  }
0xe2: {  	_ =	swait.ge @!p0 [sflag:s0], s1  }
0xe3: {  	s1 =	ssub.s32 @!p0 $0x0, s1;
	[sflag:s0] =	ssyncset.done @!p0 $0x0  }
0xe4: {  	[sflag:s0] =	ssyncadd.s32 @!p0 s1  }
0xe5: {  	[bflag:$0x3] =	sbarrier.arrive $0xFFFF  }
0xe6: {  	_ =	shalt  }

</sc_bundles>
